<compile_context>
chip_gen: v7x
topology: tpu7x:2x2x1
jax: 0.10.2.dev20260603
libtpu: 0.0.44.dev20260713+nightly
codegen_flags: <defaults>
</compile_context>

<pallas_src>
import jax
import jax.numpy as jnp
from jax import lax
from jax.experimental import pallas as pl
from jax.experimental.pallas import tpu as pltpu
from jax.experimental.pallas import tpu_sc as plsc

B = 16384
D = 784
NC, NS = 2, 16
RPW = D // NS
BH = B // NC
NG = BH // 16
RQ = 7
NQ = RPW // RQ


def _body(idx_hbm, tabt_hbm, out_hbm, tabt_v, idx_v, *bs):
    bufs, sems = bs[:RQ], bs[RQ:]
    rg = lax.axis_index("s")
    h = lax.axis_index("c")
    j0 = rg * RPW
    bbase = h * BH
    pltpu.sync_copy(tabt_hbm, tabt_v)
    pltpu.sync_copy(idx_hbm.at[pl.ds(bbase, BH)], idx_v)

    dnums = lax.GatherDimensionNumbers(
        offset_dims=(), collapsed_slice_dims=(0,), start_index_map=(0,)
    )

    def out_slice(j):
        return out_hbm.at[pl.ds(j * B + bbase, BH)]

    def quad(q, _):
        ja = j0 + RQ * q

        for rr in range(RQ):
            @pl.when(q > 0)
            def _():
                pltpu.make_async_copy(
                    bufs[rr], out_slice(ja - RQ + rr), sems[rr]
                ).wait()

        @plsc.parallel_loop(0, NG // 8, unroll=2)
        def per_g8(g8):
            xs = [idx_v[pl.ds((g8 * 8 + k) * 16, 16)] for k in range(8)]
            for rr in range(RQ):
                rowv = tabt_v[pl.ds((ja + rr) * 10, 16)]
                for k in range(8):
                    v = lax.gather(
                        rowv, xs[k][:, None], dnums, (1,),
                        mode=lax.GatherScatterMode.PROMISE_IN_BOUNDS,
                    )
                    bufs[rr][pl.ds((g8 * 8 + k) * 16, 16)] = v

        for rr in range(RQ):
            pltpu.async_copy(bufs[rr], out_slice(ja + rr), sems[rr])
        return 0

    lax.fori_loop(0, NQ, quad, 0)
    for rr in range(RQ):
        pltpu.make_async_copy(
            bufs[rr], out_slice(j0 + RQ * (NQ - 1) + rr), sems[rr]
        ).wait()


@jax.jit
def _gather_t(x, logits):
    mesh = plsc.VectorSubcoreMesh(core_axis_name="c", subcore_axis_name="s")
    idx = x.astype(jnp.int32)
    tabt = jnp.concatenate([logits.T.reshape(D * 10), jnp.zeros((16,), jnp.float32)])
    run = pl.kernel(
        _body,
        mesh=mesh,
        out_type=jax.ShapeDtypeStruct((D * B,), jnp.float32),
        scratch_types=(
            [pltpu.VMEM((D * 10 + 16,), jnp.float32), pltpu.VMEM((BH,), jnp.int32)]
            + [pltpu.VMEM((BH,), jnp.float32)] * RQ
            + [pltpu.SemaphoreType.DMA] * RQ
        ),
    )
    out_t = run(idx, tabt)
    return jnp.transpose(out_t.reshape(1, 28, 28, B), (3, 0, 1, 2))


def kernel(x, logits):
    return _gather_t(x, logits)

# --- scband reference (transcript-rebuilt; emitter-appended) ---
"""Pipeline reference for scband-conditional-digit-distribution-83794811945045 (READ-ONLY COPY).

The authoritative reference and input builder live on the scoring server;
editing this copy changes nothing except your own understanding.
"""

import jax, jax.numpy as jnp
import numpy as np


def setup_inputs(seed: int = 0) -> dict:
    key = jax.random.key(seed)
    k1, _ = jax.random.split(key)
    x = jax.random.randint(k1, (16384,), 0, 10, dtype=jnp.int64) if jax.config.jax_enable_x64 else jax.random.randint(k1, (16384,), 0, 10, dtype=jnp.int32)
    # Learned parameter: logits table [10, 1*28*28], initialized to zeros per the module.
    logits = jnp.zeros((10, 1 * 28 * 28), dtype=jnp.float32)
    return {"x": x, "logits": logits}


def reference(x, logits):
    # Faithful translation: gather per-digit logits, reshape to the Bernoulli
    # event shape [1, 28, 28]. The IndependentBernoulli layer parameterizes an
    # elementwise Bernoulli with these logits; we return the distribution
    # parameters (logits reshaped to event shape).
    gathered = jnp.take(logits, x, axis=0)  # [B, 784]
    event_logits = gathered.reshape((x.shape[0], 1, 28, 28))
    return event_logits

if __name__ == "__main__":
    import jax
    _d = setup_inputs()
    print(jax.jit(kernel)(*tuple(_d.values())))

</pallas_src>

<mosaic_0001>
#map = affine_map<(d0, d1) -> (0)>
module attributes {stable_mosaic.version = 14 : i64} {
  func.func @_body(%arg0: i32, %arg1: i32, %arg2: memref<16384xi32, #tpu.memory_space<hbm>>, %arg3: memref<7856xf32, #tpu.memory_space<hbm>>, %arg4: memref<12845056xf32, #tpu.memory_space<hbm>>, %arg5: memref<7856xf32, #tpu.memory_space<vmem>>, %arg6: memref<8192xi32, #tpu.memory_space<vmem>>, %arg7: memref<8192xf32, #tpu.memory_space<vmem>>, %arg8: memref<8192xf32, #tpu.memory_space<vmem>>, %arg9: memref<8192xf32, #tpu.memory_space<vmem>>, %arg10: memref<8192xf32, #tpu.memory_space<vmem>>, %arg11: memref<8192xf32, #tpu.memory_space<vmem>>, %arg12: memref<8192xf32, #tpu.memory_space<vmem>>, %arg13: memref<8192xf32, #tpu.memory_space<vmem>>, %arg14: memref<!tpu.dma_semaphore, #tpu.memory_space<semaphore_mem>>, %arg15: memref<!tpu.dma_semaphore, #tpu.memory_space<semaphore_mem>>, %arg16: memref<!tpu.dma_semaphore, #tpu.memory_space<semaphore_mem>>, %arg17: memref<!tpu.dma_semaphore, #tpu.memory_space<semaphore_mem>>, %arg18: memref<!tpu.dma_semaphore, #tpu.memory_space<semaphore_mem>>, %arg19: memref<!tpu.dma_semaphore, #tpu.memory_space<semaphore_mem>>, %arg20: memref<!tpu.dma_semaphore, #tpu.memory_space<semaphore_mem>>) attributes {dimension_semantics = [#tpu.dimension_semantics<core_parallel>, #tpu.dimension_semantics<subcore_parallel>], iteration_bounds = array<i64: 2, 16>, scalar_prefetch = 0 : i64, scratch_operands = 16 : i64, tpu.core_type = #tpu.core_type<sc_vector_subcore>, window_params = [{transform_indices = #map}, {transform_indices = #map}, {transform_indices = #map}]} {
    %mul3A = arith.constant 49 : i32
    %mul3A_0 = arith.muli %arg1, %mul3A : i32
    %mul3A_1 = arith.constant 8192 : i32
    %mul3A_2 = arith.muli %arg0, %mul3A_1 : i32
    "tpu.region"() ({
      %run_scoped3A = tpu.sem_alloc : memref<!tpu.dma_semaphore, #tpu.memory_space<semaphore_mem>>
      tpu.enqueue_dma source(%arg3 : memref<7856xf32, #tpu.memory_space<hbm>>) target(%arg5 : memref<7856xf32, #tpu.memory_space<vmem>>) target_semaphore(%run_scoped3A : memref<!tpu.dma_semaphore, #tpu.memory_space<semaphore_mem>>)
      tpu.wait_dma2 semaphore(%run_scoped3A : memref<!tpu.dma_semaphore, #tpu.memory_space<semaphore_mem>>) src(%arg3 : memref<7856xf32, #tpu.memory_space<hbm>>) dst(%arg5 : memref<7856xf32, #tpu.memory_space<vmem>>)
      tpu.yield
    }) : () -> ()
    "tpu.region"() ({
      %run_scoped3A = tpu.sem_alloc : memref<!tpu.dma_semaphore, #tpu.memory_space<semaphore_mem>>
      %dma_start3A = tpu.memref_slice %arg2[%mul3A_2] : memref<16384xi32, #tpu.memory_space<hbm>> -> memref<8192xi32, #tpu.memory_space<hbm>>
      %dma_start3A_70 = tpu.memref_slice %arg2[%mul3A_2] : memref<16384xi32, #tpu.memory_space<hbm>> -> memref<8192xi32, #tpu.memory_space<hbm>>
      tpu.enqueue_dma source(%dma_start3A_70 : memref<8192xi32, #tpu.memory_space<hbm>>) target(%arg6 : memref<8192xi32, #tpu.memory_space<vmem>>) target_semaphore(%run_scoped3A : memref<!tpu.dma_semaphore, #tpu.memory_space<semaphore_mem>>)
      %dma_wait3A_71 = tpu.memref_slice %arg2[%mul3A_2] : memref<16384xi32, #tpu.memory_space<hbm>> -> memref<8192xi32, #tpu.memory_space<hbm>>
      %dma_wait3A_72 = tpu.memref_slice %arg2[%mul3A_2] : memref<16384xi32, #tpu.memory_space<hbm>> -> memref<8192xi32, #tpu.memory_space<hbm>>
      tpu.wait_dma2 semaphore(%run_scoped3A : memref<!tpu.dma_semaphore, #tpu.memory_space<semaphore_mem>>) src(%dma_wait3A_72 : memref<8192xi32, #tpu.memory_space<hbm>>) dst(%arg6 : memref<8192xi32, #tpu.memory_space<vmem>>)
      tpu.yield
    }) : () -> ()
    %scan3A = arith.constant 0 : i32
    %scan3A_3 = arith.constant 0 : i32
    %scan3A_4 = arith.constant 7 : i32
    %scan3A_5 = arith.addi %scan3A_3, %scan3A_4 : i32
    %scan3A_6 = arith.constant 1 : i32
    %scan3A_7 = scf.for %scan3A_70 = %scan3A_3 to %scan3A_5 step %scan3A_6 iter_args(%scan3A_71 = %scan3A) -> (i32)  : i32 {
      %mul3A_72 = arith.constant 7 : i32
      %mul3A_73 = arith.muli %mul3A_72, %scan3A_70 : i32
      %add3A_74 = arith.addi %mul3A_0, %mul3A_73 : i32
      %gt3A = arith.constant 0 : i32
      %gt3A_75 = arith.cmpi sgt, %scan3A_70, %gt3A : i32
      %convert_element_type3A = arith.extui %gt3A_75 : i1 to i32
      %cond3A = arith.constant 0 : i32
      %cond3A_76 = arith.cmpi ne, %convert_element_type3A, %cond3A : i32
      scf.if %cond3A_76 {
        %sub3A = arith.constant 7 : i32
        %sub3A_158 = arith.subi %add3A_74, %sub3A : i32
        %add3A_159 = arith.constant 0 : i32
        %add3A_160 = arith.addi %sub3A_158, %add3A_159 : i32
        %mul3A_161 = arith.constant 16384 : i32
        %mul3A_162 = arith.muli %add3A_160, %mul3A_161 : i32
        %add3A_163 = arith.addi %mul3A_162, %mul3A_2 : i32
        %dma_wait3A_164 = tpu.memref_slice %arg4[%add3A_163] : memref<12845056xf32, #tpu.memory_space<hbm>> -> memref<8192xf32, #tpu.memory_space<hbm>>
        %dma_wait3A_165 = tpu.memref_slice %arg4[%add3A_163] : memref<12845056xf32, #tpu.memory_space<hbm>> -> memref<8192xf32, #tpu.memory_space<hbm>>
        tpu.wait_dma2 semaphore(%arg14 : memref<!tpu.dma_semaphore, #tpu.memory_space<semaphore_mem>>) src(%arg7 : memref<8192xf32, #tpu.memory_space<vmem>>) dst(%dma_wait3A_165 : memref<8192xf32, #tpu.memory_space<hbm>>)
      } else {
      }
      %gt3A_77 = arith.constant 0 : i32
      %gt3A_78 = arith.cmpi sgt, %scan3A_70, %gt3A_77 : i32
      %convert_element_type3A_79 = arith.extui %gt3A_78 : i1 to i32
      %cond3A_80 = arith.constant 0 : i32
      %cond3A_81 = arith.cmpi ne, %convert_element_type3A_79, %cond3A_80 : i32
      scf.if %cond3A_81 {
        %sub3A = arith.constant 7 : i32
        %sub3A_158 = arith.subi %add3A_74, %sub3A : i32
        %add3A_159 = arith.constant 1 : i32
        %add3A_160 = arith.addi %sub3A_158, %add3A_159 : i32
        %mul3A_161 = arith.constant 16384 : i32
        %mul3A_162 = arith.muli %add3A_160, %mul3A_161 : i32
        %add3A_163 = arith.addi %mul3A_162, %mul3A_2 : i32
        %dma_wait3A_164 = tpu.memref_slice %arg4[%add3A_163] : memref<12845056xf32, #tpu.memory_space<hbm>> -> memref<8192xf32, #tpu.memory_space<hbm>>
        %dma_wait3A_165 = tpu.memref_slice %arg4[%add3A_163] : memref<12845056xf32, #tpu.memory_space<hbm>> -> memref<8192xf32, #tpu.memory_space<hbm>>
        tpu.wait_dma2 semaphore(%arg15 : memref<!tpu.dma_semaphore, #tpu.memory_space<semaphore_mem>>) src(%arg8 : memref<8192xf32, #tpu.memory_space<vmem>>) dst(%dma_wait3A_165 : memref<8192xf32, #tpu.memory_space<hbm>>)
      } else {
      }
      %gt3A_82 = arith.constant 0 : i32
      %gt3A_83 = arith.cmpi sgt, %scan3A_70, %gt3A_82 : i32
      %convert_element_type3A_84 = arith.extui %gt3A_83 : i1 to i32
      %cond3A_85 = arith.constant 0 : i32
      %cond3A_86 = arith.cmpi ne, %convert_element_type3A_84, %cond3A_85 : i32
      scf.if %cond3A_86 {
        %sub3A = arith.constant 7 : i32
        %sub3A_158 = arith.subi %add3A_74, %sub3A : i32
        %add3A_159 = arith.constant 2 : i32
        %add3A_160 = arith.addi %sub3A_158, %add3A_159 : i32
        %mul3A_161 = arith.constant 16384 : i32
        %mul3A_162 = arith.muli %add3A_160, %mul3A_161 : i32
        %add3A_163 = arith.addi %mul3A_162, %mul3A_2 : i32
        %dma_wait3A_164 = tpu.memref_slice %arg4[%add3A_163] : memref<12845056xf32, #tpu.memory_space<hbm>> -> memref<8192xf32, #tpu.memory_space<hbm>>
        %dma_wait3A_165 = tpu.memref_slice %arg4[%add3A_163] : memref<12845056xf32, #tpu.memory_space<hbm>> -> memref<8192xf32, #tpu.memory_space<hbm>>
        tpu.wait_dma2 semaphore(%arg16 : memref<!tpu.dma_semaphore, #tpu.memory_space<semaphore_mem>>) src(%arg9 : memref<8192xf32, #tpu.memory_space<vmem>>) dst(%dma_wait3A_165 : memref<8192xf32, #tpu.memory_space<hbm>>)
      } else {
      }
      %gt3A_87 = arith.constant 0 : i32
      %gt3A_88 = arith.cmpi sgt, %scan3A_70, %gt3A_87 : i32
      %convert_element_type3A_89 = arith.extui %gt3A_88 : i1 to i32
      %cond3A_90 = arith.constant 0 : i32
      %cond3A_91 = arith.cmpi ne, %convert_element_type3A_89, %cond3A_90 : i32
      scf.if %cond3A_91 {
        %sub3A = arith.constant 7 : i32
        %sub3A_158 = arith.subi %add3A_74, %sub3A : i32
        %add3A_159 = arith.constant 3 : i32
        %add3A_160 = arith.addi %sub3A_158, %add3A_159 : i32
        %mul3A_161 = arith.constant 16384 : i32
        %mul3A_162 = arith.muli %add3A_160, %mul3A_161 : i32
        %add3A_163 = arith.addi %mul3A_162, %mul3A_2 : i32
        %dma_wait3A_164 = tpu.memref_slice %arg4[%add3A_163] : memref<12845056xf32, #tpu.memory_space<hbm>> -> memref<8192xf32, #tpu.memory_space<hbm>>
        %dma_wait3A_165 = tpu.memref_slice %arg4[%add3A_163] : memref<12845056xf32, #tpu.memory_space<hbm>> -> memref<8192xf32, #tpu.memory_space<hbm>>
        tpu.wait_dma2 semaphore(%arg17 : memref<!tpu.dma_semaphore, #tpu.memory_space<semaphore_mem>>) src(%arg10 : memref<8192xf32, #tpu.memory_space<vmem>>) dst(%dma_wait3A_165 : memref<8192xf32, #tpu.memory_space<hbm>>)
      } else {
      }
      %gt3A_92 = arith.constant 0 : i32
      %gt3A_93 = arith.cmpi sgt, %scan3A_70, %gt3A_92 : i32
      %convert_element_type3A_94 = arith.extui %gt3A_93 : i1 to i32
      %cond3A_95 = arith.constant 0 : i32
      %cond3A_96 = arith.cmpi ne, %convert_element_type3A_94, %cond3A_95 : i32
      scf.if %cond3A_96 {
        %sub3A = arith.constant 7 : i32
        %sub3A_158 = arith.subi %add3A_74, %sub3A : i32
        %add3A_159 = arith.constant 4 : i32
        %add3A_160 = arith.addi %sub3A_158, %add3A_159 : i32
        %mul3A_161 = arith.constant 16384 : i32
        %mul3A_162 = arith.muli %add3A_160, %mul3A_161 : i32
        %add3A_163 = arith.addi %mul3A_162, %mul3A_2 : i32
        %dma_wait3A_164 = tpu.memref_slice %arg4[%add3A_163] : memref<12845056xf32, #tpu.memory_space<hbm>> -> memref<8192xf32, #tpu.memory_space<hbm>>
        %dma_wait3A_165 = tpu.memref_slice %arg4[%add3A_163] : memref<12845056xf32, #tpu.memory_space<hbm>> -> memref<8192xf32, #tpu.memory_space<hbm>>
        tpu.wait_dma2 semaphore(%arg18 : memref<!tpu.dma_semaphore, #tpu.memory_space<semaphore_mem>>) src(%arg11 : memref<8192xf32, #tpu.memory_space<vmem>>) dst(%dma_wait3A_165 : memref<8192xf32, #tpu.memory_space<hbm>>)
      } else {
      }
      %gt3A_97 = arith.constant 0 : i32
      %gt3A_98 = arith.cmpi sgt, %scan3A_70, %gt3A_97 : i32
      %convert_element_type3A_99 = arith.extui %gt3A_98 : i1 to i32
      %cond3A_100 = arith.constant 0 : i32
      %cond3A_101 = arith.cmpi ne, %convert_element_type3A_99, %cond3A_100 : i32
      scf.if %cond3A_101 {
        %sub3A = arith.constant 7 : i32
        %sub3A_158 = arith.subi %add3A_74, %sub3A : i32
        %add3A_159 = arith.constant 5 : i32
        %add3A_160 = arith.addi %sub3A_158, %add3A_159 : i32
        %mul3A_161 = arith.constant 16384 : i32
        %mul3A_162 = arith.muli %add3A_160, %mul3A_161 : i32
        %add3A_163 = arith.addi %mul3A_162, %mul3A_2 : i32
        %dma_wait3A_164 = tpu.memref_slice %arg4[%add3A_163] : memref<12845056xf32, #tpu.memory_space<hbm>> -> memref<8192xf32, #tpu.memory_space<hbm>>
        %dma_wait3A_165 = tpu.memref_slice %arg4[%add3A_163] : memref<12845056xf32, #tpu.memory_space<hbm>> -> memref<8192xf32, #tpu.memory_space<hbm>>
        tpu.wait_dma2 semaphore(%arg19 : memref<!tpu.dma_semaphore, #tpu.memory_space<semaphore_mem>>) src(%arg12 : memref<8192xf32, #tpu.memory_space<vmem>>) dst(%dma_wait3A_165 : memref<8192xf32, #tpu.memory_space<hbm>>)
      } else {
      }
      %gt3A_102 = arith.constant 0 : i32
      %gt3A_103 = arith.cmpi sgt, %scan3A_70, %gt3A_102 : i32
      %convert_element_type3A_104 = arith.extui %gt3A_103 : i1 to i32
      %cond3A_105 = arith.constant 0 : i32
      %cond3A_106 = arith.cmpi ne, %convert_element_type3A_104, %cond3A_105 : i32
      scf.if %cond3A_106 {
        %sub3A = arith.constant 7 : i32
        %sub3A_158 = arith.subi %add3A_74, %sub3A : i32
        %add3A_159 = arith.constant 6 : i32
        %add3A_160 = arith.addi %sub3A_158, %add3A_159 : i32
        %mul3A_161 = arith.constant 16384 : i32
        %mul3A_162 = arith.muli %add3A_160, %mul3A_161 : i32
        %add3A_163 = arith.addi %mul3A_162, %mul3A_2 : i32
        %dma_wait3A_164 = tpu.memref_slice %arg4[%add3A_163] : memref<12845056xf32, #tpu.memory_space<hbm>> -> memref<8192xf32, #tpu.memory_space<hbm>>
        %dma_wait3A_165 = tpu.memref_slice %arg4[%add3A_163] : memref<12845056xf32, #tpu.memory_space<hbm>> -> memref<8192xf32, #tpu.memory_space<hbm>>
        tpu.wait_dma2 semaphore(%arg20 : memref<!tpu.dma_semaphore, #tpu.memory_space<semaphore_mem>>) src(%arg13 : memref<8192xf32, #tpu.memory_space<vmem>>) dst(%dma_wait3A_165 : memref<8192xf32, #tpu.memory_space<hbm>>)
      } else {
      }
      %parallel_loop3A = arith.constant 0 : i32
      %parallel_loop3A_107 = arith.constant 64 : i32
      %parallel_loop3A_108 = arith.constant 1 : i32
      scf.for %parallel_loop3A_158 = %parallel_loop3A to %parallel_loop3A_107 step %parallel_loop3A_108  : i32 {
        %parallel_loop3A_159 = arith.constant 8 : i32
        %parallel_loop3A_160 = arith.muli %parallel_loop3A_158, %parallel_loop3A_159 : i32
        %parallel_loop3A_161 = arith.constant 0 : i32
        %parallel_loop3A_162 = arith.addi %parallel_loop3A_160, %parallel_loop3A_161 : i32
        %parallel_loop3A_163 = arith.constant 16 : i32
        %parallel_loop3A_164 = arith.muli %parallel_loop3A_162, %parallel_loop3A_163 : i32
        %parallel_loop3A_165 = arith.index_cast %parallel_loop3A_164 : i32 to index
        %parallel_loop3A_166 = tpu.vector_load %arg6[%parallel_loop3A_165] {strides = array<i32>} : memref<8192xi32, #tpu.memory_space<vmem>>, vector<16xi32>,
        %parallel_loop3A_167 = vector.shape_cast %parallel_loop3A_166 : vector<16xi32> to vector<16xi32>
        %parallel_loop3A_168 = arith.constant 8 : i32
        %parallel_loop3A_169 = arith.muli %parallel_loop3A_158, %parallel_loop3A_168 : i32
        %parallel_loop3A_170 = arith.constant 1 : i32
        %parallel_loop3A_171 = arith.addi %parallel_loop3A_169, %parallel_loop3A_170 : i32
        %parallel_loop3A_172 = arith.constant 16 : i32
        %parallel_loop3A_173 = arith.muli %parallel_loop3A_171, %parallel_loop3A_172 : i32
        %parallel_loop3A_174 = arith.index_cast %parallel_loop3A_173 : i32 to index
        %parallel_loop3A_175 = tpu.vector_load %arg6[%parallel_loop3A_174] {strides = array<i32>} : memref<8192xi32, #tpu.memory_space<vmem>>, vector<16xi32>,
        %parallel_loop3A_176 = vector.shape_cast %parallel_loop3A_175 : vector<16xi32> to vector<16xi32>
        %parallel_loop3A_177 = arith.constant 8 : i32
        %parallel_loop3A_178 = arith.muli %parallel_loop3A_158, %parallel_loop3A_177 : i32
        %parallel_loop3A_179 = arith.constant 2 : i32
        %parallel_loop3A_180 = arith.addi %parallel_loop3A_178, %parallel_loop3A_179 : i32
        %parallel_loop3A_181 = arith.constant 16 : i32
        %parallel_loop3A_182 = arith.muli %parallel_loop3A_180, %parallel_loop3A_181 : i32
        %parallel_loop3A_183 = arith.index_cast %parallel_loop3A_182 : i32 to index
        %parallel_loop3A_184 = tpu.vector_load %arg6[%parallel_loop3A_183] {strides = array<i32>} : memref<8192xi32, #tpu.memory_space<vmem>>, vector<16xi32>,
        %parallel_loop3A_185 = vector.shape_cast %parallel_loop3A_184 : vector<16xi32> to vector<16xi32>
        %parallel_loop3A_186 = arith.constant 8 : i32
        %parallel_loop3A_187 = arith.muli %parallel_loop3A_158, %parallel_loop3A_186 : i32
        %parallel_loop3A_188 = arith.constant 3 : i32
        %parallel_loop3A_189 = arith.addi %parallel_loop3A_187, %parallel_loop3A_188 : i32
        %parallel_loop3A_190 = arith.constant 16 : i32
        %parallel_loop3A_191 = arith.muli %parallel_loop3A_189, %parallel_loop3A_190 : i32
        %parallel_loop3A_192 = arith.index_cast %parallel_loop3A_191 : i32 to index
        %parallel_loop3A_193 = tpu.vector_load %arg6[%parallel_loop3A_192] {strides = array<i32>} : memref<8192xi32, #tpu.memory_space<vmem>>, vector<16xi32>,
        %parallel_loop3A_194 = vector.shape_cast %parallel_loop3A_193 : vector<16xi32> to vector<16xi32>
        %parallel_loop3A_195 = arith.constant 8 : i32
        %parallel_loop3A_196 = arith.muli %parallel_loop3A_158, %parallel_loop3A_195 : i32
        %parallel_loop3A_197 = arith.constant 4 : i32
        %parallel_loop3A_198 = arith.addi %parallel_loop3A_196, %parallel_loop3A_197 : i32
        %parallel_loop3A_199 = arith.constant 16 : i32
        %parallel_loop3A_200 = arith.muli %parallel_loop3A_198, %parallel_loop3A_199 : i32
        %parallel_loop3A_201 = arith.index_cast %parallel_loop3A_200 : i32 to index
        %parallel_loop3A_202 = tpu.vector_load %arg6[%parallel_loop3A_201] {strides = array<i32>} : memref<8192xi32, #tpu.memory_space<vmem>>, vector<16xi32>,
        %parallel_loop3A_203 = vector.shape_cast %parallel_loop3A_202 : vector<16xi32> to vector<16xi32>
        %parallel_loop3A_204 = arith.constant 8 : i32
        %parallel_loop3A_205 = arith.muli %parallel_loop3A_158, %parallel_loop3A_204 : i32
        %parallel_loop3A_206 = arith.constant 5 : i32
        %parallel_loop3A_207 = arith.addi %parallel_loop3A_205, %parallel_loop3A_206 : i32
        %parallel_loop3A_208 = arith.constant 16 : i32
        %parallel_loop3A_209 = arith.muli %parallel_loop3A_207, %parallel_loop3A_208 : i32
        %parallel_loop3A_210 = arith.index_cast %parallel_loop3A_209 : i32 to index
        %parallel_loop3A_211 = tpu.vector_load %arg6[%parallel_loop3A_210] {strides = array<i32>} : memref<8192xi32, #tpu.memory_space<vmem>>, vector<16xi32>,
        %parallel_loop3A_212 = vector.shape_cast %parallel_loop3A_211 : vector<16xi32> to vector<16xi32>
        %parallel_loop3A_213 = arith.constant 8 : i32
        %parallel_loop3A_214 = arith.muli %parallel_loop3A_158, %parallel_loop3A_213 : i32
        %parallel_loop3A_215 = arith.constant 6 : i32
        %parallel_loop3A_216 = arith.addi %parallel_loop3A_214, %parallel_loop3A_215 : i32
        %parallel_loop3A_217 = arith.constant 16 : i32
        %parallel_loop3A_218 = arith.muli %parallel_loop3A_216, %parallel_loop3A_217 : i32
        %parallel_loop3A_219 = arith.index_cast %parallel_loop3A_218 : i32 to index
        %parallel_loop3A_220 = tpu.vector_load %arg6[%parallel_loop3A_219] {strides = array<i32>} : memref<8192xi32, #tpu.memory_space<vmem>>, vector<16xi32>,
        %parallel_loop3A_221 = vector.shape_cast %parallel_loop3A_220 : vector<16xi32> to vector<16xi32>
        %parallel_loop3A_222 = arith.constant 8 : i32
        %parallel_loop3A_223 = arith.muli %parallel_loop3A_158, %parallel_loop3A_222 : i32
        %parallel_loop3A_224 = arith.constant 7 : i32
        %parallel_loop3A_225 = arith.addi %parallel_loop3A_223, %parallel_loop3A_224 : i32
        %parallel_loop3A_226 = arith.constant 16 : i32
        %parallel_loop3A_227 = arith.muli %parallel_loop3A_225, %parallel_loop3A_226 : i32
        %parallel_loop3A_228 = arith.index_cast %parallel_loop3A_227 : i32 to index
        %parallel_loop3A_229 = tpu.vector_load %arg6[%parallel_loop3A_228] {strides = array<i32>} : memref<8192xi32, #tpu.memory_space<vmem>>, vector<16xi32>,
        %parallel_loop3A_230 = vector.shape_cast %parallel_loop3A_229 : vector<16xi32> to vector<16xi32>
        %parallel_loop3A_231 = arith.constant 0 : i32
        %parallel_loop3A_232 = arith.addi %add3A_74, %parallel_loop3A_231 : i32
        %parallel_loop3A_233 = arith.constant 10 : i32
        %parallel_loop3A_234 = arith.muli %parallel_loop3A_232, %parallel_loop3A_233 : i32
        %parallel_loop3A_235 = arith.index_cast %parallel_loop3A_234 : i32 to index
        %parallel_loop3A_236 = tpu.vector_load %arg5[%parallel_loop3A_235] {strides = array<i32>} : memref<7856xf32, #tpu.memory_space<vmem>>, vector<16xf32>,
        %parallel_loop3A_237 = vector.shape_cast %parallel_loop3A_236 : vector<16xf32> to vector<16xf32>
        %parallel_loop3A_238 = vector.shape_cast %parallel_loop3A_167 : vector<16xi32> to vector<16x1xi32>
        %parallel_loop3A_239 = vector.shape_cast %parallel_loop3A_238 : vector<16x1xi32> to vector<16xi32>
        %parallel_loop3A_240 = tpu.dynamic_gather %parallel_loop3A_237[%parallel_loop3A_239] in [0] : vector<16xf32>, vector<16xi32> -> vector<16xf32>
        %parallel_loop3A_241 = arith.constant 8 : i32
        %parallel_loop3A_242 = arith.muli %parallel_loop3A_158, %parallel_loop3A_241 : i32
        %parallel_loop3A_243 = arith.constant 0 : i32
        %parallel_loop3A_244 = arith.addi %parallel_loop3A_242, %parallel_loop3A_243 : i32
        %parallel_loop3A_245 = arith.constant 16 : i32
        %parallel_loop3A_246 = arith.muli %parallel_loop3A_244, %parallel_loop3A_245 : i32
        %parallel_loop3A_247 = arith.index_cast %parallel_loop3A_246 : i32 to index
        %parallel_loop3A_248 = tpu.vector_load %arg7[%parallel_loop3A_247] {strides = array<i32>} : memref<8192xf32, #tpu.memory_space<vmem>>, vector<16xf32>,
        %parallel_loop3A_249 = vector.shape_cast %parallel_loop3A_248 : vector<16xf32> to vector<16xf32>
        %parallel_loop3A_250 = vector.shape_cast %parallel_loop3A_240 : vector<16xf32> to vector<16xf32>
        tpu.vector_store %arg7[%parallel_loop3A_247], %parallel_loop3A_250 {strides = array<i32>} : memref<8192xf32, #tpu.memory_space<vmem>>, vector<16xf32>,
        %parallel_loop3A_251 = vector.shape_cast %parallel_loop3A_176 : vector<16xi32> to vector<16x1xi32>
        %parallel_loop3A_252 = vector.shape_cast %parallel_loop3A_251 : vector<16x1xi32> to vector<16xi32>
        %parallel_loop3A_253 = tpu.dynamic_gather %parallel_loop3A_237[%parallel_loop3A_252] in [0] : vector<16xf32>, vector<16xi32> -> vector<16xf32>
        %parallel_loop3A_254 = arith.constant 8 : i32
        %parallel_loop3A_255 = arith.muli %parallel_loop3A_158, %parallel_loop3A_254 : i32
        %parallel_loop3A_256 = arith.constant 1 : i32
        %parallel_loop3A_257 = arith.addi %parallel_loop3A_255, %parallel_loop3A_256 : i32
        %parallel_loop3A_258 = arith.constant 16 : i32
        %parallel_loop3A_259 = arith.muli %parallel_loop3A_257, %parallel_loop3A_258 : i32
        %parallel_loop3A_260 = arith.index_cast %parallel_loop3A_259 : i32 to index
        %parallel_loop3A_261 = tpu.vector_load %arg7[%parallel_loop3A_260] {strides = array<i32>} : memref<8192xf32, #tpu.memory_space<vmem>>, vector<16xf32>,
        %parallel_loop3A_262 = vector.shape_cast %parallel_loop3A_261 : vector<16xf32> to vector<16xf32>
        %parallel_loop3A_263 = vector.shape_cast %parallel_loop3A_253 : vector<16xf32> to vector<16xf32>
        tpu.vector_store %arg7[%parallel_loop3A_260], %parallel_loop3A_263 {strides = array<i32>} : memref<8192xf32, #tpu.memory_space<vmem>>, vector<16xf32>,
        %parallel_loop3A_264 = vector.shape_cast %parallel_loop3A_185 : vector<16xi32> to vector<16x1xi32>
        %parallel_loop3A_265 = vector.shape_cast %parallel_loop3A_264 : vector<16x1xi32> to vector<16xi32>
        %parallel_loop3A_266 = tpu.dynamic_gather %parallel_loop3A_237[%parallel_loop3A_265] in [0] : vector<16xf32>, vector<16xi32> -> vector<16xf32>
        %parallel_loop3A_267 = arith.constant 8 : i32
        %parallel_loop3A_268 = arith.muli %parallel_loop3A_158, %parallel_loop3A_267 : i32
        %parallel_loop3A_269 = arith.constant 2 : i32
        %parallel_loop3A_270 = arith.addi %parallel_loop3A_268, %parallel_loop3A_269 : i32
        %parallel_loop3A_271 = arith.constant 16 : i32
        %parallel_loop3A_272 = arith.muli %parallel_loop3A_270, %parallel_loop3A_271 : i32
        %parallel_loop3A_273 = arith.index_cast %parallel_loop3A_272 : i32 to index
        %parallel_loop3A_274 = tpu.vector_load %arg7[%parallel_loop3A_273] {strides = array<i32>} : memref<8192xf32, #tpu.memory_space<vmem>>, vector<16xf32>,
        %parallel_loop3A_275 = vector.shape_cast %parallel_loop3A_274 : vector<16xf32> to vector<16xf32>
        %parallel_loop3A_276 = vector.shape_cast %parallel_loop3A_266 : vector<16xf32> to vector<16xf32>
        tpu.vector_store %arg7[%parallel_loop3A_273], %parallel_loop3A_276 {strides = array<i32>} : memref<8192xf32, #tpu.memory_space<vmem>>, vector<16xf32>,
        %parallel_loop3A_277 = vector.shape_cast %parallel_loop3A_194 : vector<16xi32> to vector<16x1xi32>
        %parallel_loop3A_278 = vector.shape_cast %parallel_loop3A_277 : vector<16x1xi32> to vector<16xi32>
        %parallel_loop3A_279 = tpu.dynamic_gather %parallel_loop3A_237[%parallel_loop3A_278] in [0] : vector<16xf32>, vector<16xi32> -> vector<16xf32>
        %parallel_loop3A_280 = arith.constant 8 : i32
        %parallel_loop3A_281 = arith.muli %parallel_loop3A_158, %parallel_loop3A_280 : i32
        %parallel_loop3A_282 = arith.constant 3 : i32
        %parallel_loop3A_283 = arith.addi %parallel_loop3A_281, %parallel_loop3A_282 : i32
        %parallel_loop3A_284 = arith.constant 16 : i32
        %parallel_loop3A_285 = arith.muli %parallel_loop3A_283, %parallel_loop3A_284 : i32
        %parallel_loop3A_286 = arith.index_cast %parallel_loop3A_285 : i32 to index
        %parallel_loop3A_287 = tpu.vector_load %arg7[%parallel_loop3A_286] {strides = array<i32>} : memref<8192xf32, #tpu.memory_space<vmem>>, vector<16xf32>,
        %parallel_loop3A_288 = vector.shape_cast %parallel_loop3A_287 : vector<16xf32> to vector<16xf32>
        %parallel_loop3A_289 = vector.shape_cast %parallel_loop3A_279 : vector<16xf32> to vector<16xf32>
        tpu.vector_store %arg7[%parallel_loop3A_286], %parallel_loop3A_289 {strides = array<i32>} : memref<8192xf32, #tpu.memory_space<vmem>>, vector<16xf32>,
        %parallel_loop3A_290 = vector.shape_cast %parallel_loop3A_203 : vector<16xi32> to vector<16x1xi32>
        %parallel_loop3A_291 = vector.shape_cast %parallel_loop3A_290 : vector<16x1xi32> to vector<16xi32>
        %parallel_loop3A_292 = tpu.dynamic_gather %parallel_loop3A_237[%parallel_loop3A_291] in [0] : vector<16xf32>, vector<16xi32> -> vector<16xf32>
        %parallel_loop3A_293 = arith.constant 8 : i32
        %parallel_loop3A_294 = arith.muli %parallel_loop3A_158, %parallel_loop3A_293 : i32
        %parallel_loop3A_295 = arith.constant 4 : i32
        %parallel_loop3A_296 = arith.addi %parallel_loop3A_294, %parallel_loop3A_295 : i32
        %parallel_loop3A_297 = arith.constant 16 : i32
        %parallel_loop3A_298 = arith.muli %parallel_loop3A_296, %parallel_loop3A_297 : i32
        %parallel_loop3A_299 = arith.index_cast %parallel_loop3A_298 : i32 to index
        %parallel_loop3A_300 = tpu.vector_load %arg7[%parallel_loop3A_299] {strides = array<i32>} : memref<8192xf32, #tpu.memory_space<vmem>>, vector<16xf32>,
        %parallel_loop3A_301 = vector.shape_cast %parallel_loop3A_300 : vector<16xf32> to vector<16xf32>
        %parallel_loop3A_302 = vector.shape_cast %parallel_loop3A_292 : vector<16xf32> to vector<16xf32>
        tpu.vector_store %arg7[%parallel_loop3A_299], %parallel_loop3A_302 {strides = array<i32>} : memref<8192xf32, #tpu.memory_space<vmem>>, vector<16xf32>,
        %parallel_loop3A_303 = vector.shape_cast %parallel_loop3A_212 : vector<16xi32> to vector<16x1xi32>
        %parallel_loop3A_304 = vector.shape_cast %parallel_loop3A_303 : vector<16x1xi32> to vector<16xi32>
        %parallel_loop3A_305 = tpu.dynamic_gather %parallel_loop3A_237[%parallel_loop3A_304] in [0] : vector<16xf32>, vector<16xi32> -> vector<16xf32>
        %parallel_loop3A_306 = arith.constant 8 : i32
        %parallel_loop3A_307 = arith.muli %parallel_loop3A_158, %parallel_loop3A_306 : i32
        %parallel_loop3A_308 = arith.constant 5 : i32
        %parallel_loop3A_309 = arith.addi %parallel_loop3A_307, %parallel_loop3A_308 : i32
        %parallel_loop3A_310 = arith.constant 16 : i32
        %parallel_loop3A_311 = arith.muli %parallel_loop3A_309, %parallel_loop3A_310 : i32
        %parallel_loop3A_312 = arith.index_cast %parallel_loop3A_311 : i32 to index
        %parallel_loop3A_313 = tpu.vector_load %arg7[%parallel_loop3A_312] {strides = array<i32>} : memref<8192xf32, #tpu.memory_space<vmem>>, vector<16xf32>,
        %parallel_loop3A_314 = vector.shape_cast %parallel_loop3A_313 : vector<16xf32> to vector<16xf32>
        %parallel_loop3A_315 = vector.shape_cast %parallel_loop3A_305 : vector<16xf32> to vector<16xf32>
        tpu.vector_store %arg7[%parallel_loop3A_312], %parallel_loop3A_315 {strides = array<i32>} : memref<8192xf32, #tpu.memory_space<vmem>>, vector<16xf32>,
        %parallel_loop3A_316 = vector.shape_cast %parallel_loop3A_221 : vector<16xi32> to vector<16x1xi32>
        %parallel_loop3A_317 = vector.shape_cast %parallel_loop3A_316 : vector<16x1xi32> to vector<16xi32>
        %parallel_loop3A_318 = tpu.dynamic_gather %parallel_loop3A_237[%parallel_loop3A_317] in [0] : vector<16xf32>, vector<16xi32> -> vector<16xf32>
        %parallel_loop3A_319 = arith.constant 8 : i32
        %parallel_loop3A_320 = arith.muli %parallel_loop3A_158, %parallel_loop3A_319 : i32
        %parallel_loop3A_321 = arith.constant 6 : i32
        %parallel_loop3A_322 = arith.addi %parallel_loop3A_320, %parallel_loop3A_321 : i32
        %parallel_loop3A_323 = arith.constant 16 : i32
        %parallel_loop3A_324 = arith.muli %parallel_loop3A_322, %parallel_loop3A_323 : i32
        %parallel_loop3A_325 = arith.index_cast %parallel_loop3A_324 : i32 to index
        %parallel_loop3A_326 = tpu.vector_load %arg7[%parallel_loop3A_325] {strides = array<i32>} : memref<8192xf32, #tpu.memory_space<vmem>>, vector<16xf32>,
        %parallel_loop3A_327 = vector.shape_cast %parallel_loop3A_326 : vector<16xf32> to vector<16xf32>
        %parallel_loop3A_328 = vector.shape_cast %parallel_loop3A_318 : vector<16xf32> to vector<16xf32>
        tpu.vector_store %arg7[%parallel_loop3A_325], %parallel_loop3A_328 {strides = array<i32>} : memref<8192xf32, #tpu.memory_space<vmem>>, vector<16xf32>,
        %parallel_loop3A_329 = vector.shape_cast %parallel_loop3A_230 : vector<16xi32> to vector<16x1xi32>
        %parallel_loop3A_330 = vector.shape_cast %parallel_loop3A_329 : vector<16x1xi32> to vector<16xi32>
        %parallel_loop3A_331 = tpu.dynamic_gather %parallel_loop3A_237[%parallel_loop3A_330] in [0] : vector<16xf32>, vector<16xi32> -> vector<16xf32>
        %parallel_loop3A_332 = arith.constant 8 : i32
        %parallel_loop3A_333 = arith.muli %parallel_loop3A_158, %parallel_loop3A_332 : i32
        %parallel_loop3A_334 = arith.constant 7 : i32
        %parallel_loop3A_335 = arith.addi %parallel_loop3A_333, %parallel_loop3A_334 : i32
        %parallel_loop3A_336 = arith.constant 16 : i32
        %parallel_loop3A_337 = arith.muli %parallel_loop3A_335, %parallel_loop3A_336 : i32
        %parallel_loop3A_338 = arith.index_cast %parallel_loop3A_337 : i32 to index
        %parallel_loop3A_339 = tpu.vector_load %arg7[%parallel_loop3A_338] {strides = array<i32>} : memref<8192xf32, #tpu.memory_space<vmem>>, vector<16xf32>,
        %parallel_loop3A_340 = vector.shape_cast %parallel_loop3A_339 : vector<16xf32> to vector<16xf32>
        %parallel_loop3A_341 = vector.shape_cast %parallel_loop3A_331 : vector<16xf32> to vector<16xf32>
        tpu.vector_store %arg7[%parallel_loop3A_338], %parallel_loop3A_341 {strides = array<i32>} : memref<8192xf32, #tpu.memory_space<vmem>>, vector<16xf32>,
        %parallel_loop3A_342 = arith.constant 1 : i32
        %parallel_loop3A_343 = arith.addi %add3A_74, %parallel_loop3A_342 : i32
        %parallel_loop3A_344 = arith.constant 10 : i32
        %parallel_loop3A_345 = arith.muli %parallel_loop3A_343, %parallel_loop3A_344 : i32
        %parallel_loop3A_346 = arith.index_cast %parallel_loop3A_345 : i32 to index
        %parallel_loop3A_347 = tpu.vector_load %arg5[%parallel_loop3A_346] {strides = array<i32>} : memref<7856xf32, #tpu.memory_space<vmem>>, vector<16xf32>,
        %parallel_loop3A_348 = vector.shape_cast %parallel_loop3A_347 : vector<16xf32> to vector<16xf32>
        %parallel_loop3A_349 = vector.shape_cast %parallel_loop3A_167 : vector<16xi32> to vector<16x1xi32>
        %parallel_loop3A_350 = vector.shape_cast %parallel_loop3A_349 : vector<16x1xi32> to vector<16xi32>
        %parallel_loop3A_351 = tpu.dynamic_gather %parallel_loop3A_348[%parallel_loop3A_350] in [0] : vector<16xf32>, vector<16xi32> -> vector<16xf32>
        %parallel_loop3A_352 = arith.constant 8 : i32
        %parallel_loop3A_353 = arith.muli %parallel_loop3A_158, %parallel_loop3A_352 : i32
        %parallel_loop3A_354 = arith.constant 0 : i32
        %parallel_loop3A_355 = arith.addi %parallel_loop3A_353, %parallel_loop3A_354 : i32
        %parallel_loop3A_356 = arith.constant 16 : i32
        %parallel_loop3A_357 = arith.muli %parallel_loop3A_355, %parallel_loop3A_356 : i32
        %parallel_loop3A_358 = arith.index_cast %parallel_loop3A_357 : i32 to index
        %parallel_loop3A_359 = tpu.vector_load %arg8[%parallel_loop3A_358] {strides = array<i32>} : memref<8192xf32, #tpu.memory_space<vmem>>, vector<16xf32>,
        %parallel_loop3A_360 = vector.shape_cast %parallel_loop3A_359 : vector<16xf32> to vector<16xf32>
        %parallel_loop3A_361 = vector.shape_cast %parallel_loop3A_351 : vector<16xf32> to vector<16xf32>
        tpu.vector_store %arg8[%parallel_loop3A_358], %parallel_loop3A_361 {strides = array<i32>} : memref<8192xf32, #tpu.memory_space<vmem>>, vector<16xf32>,
        %parallel_loop3A_362 = vector.shape_cast %parallel_loop3A_176 : vector<16xi32> to vector<16x1xi32>
        %parallel_loop3A_363 = vector.shape_cast %parallel_loop3A_362 : vector<16x1xi32> to vector<16xi32>
        %parallel_loop3A_364 = tpu.dynamic_gather %parallel_loop3A_348[%parallel_loop3A_363] in [0] : vector<16xf32>, vector<16xi32> -> vector<16xf32>
        %parallel_loop3A_365 = arith.constant 8 : i32
        %parallel_loop3A_366 = arith.muli %parallel_loop3A_158, %parallel_loop3A_365 : i32
        %parallel_loop3A_367 = arith.constant 1 : i32
        %parallel_loop3A_368 = arith.addi %parallel_loop3A_366, %parallel_loop3A_367 : i32
        %parallel_loop3A_369 = arith.constant 16 : i32
        %parallel_loop3A_370 = arith.muli %parallel_loop3A_368, %parallel_loop3A_369 : i32
        %parallel_loop3A_371 = arith.index_cast %parallel_loop3A_370 : i32 to index
        %parallel_loop3A_372 = tpu.vector_load %arg8[%parallel_loop3A_371] {strides = array<i32>} : memref<8192xf32, #tpu.memory_space<vmem>>, vector<16xf32>,
        %parallel_loop3A_373 = vector.shape_cast %parallel_loop3A_372 : vector<16xf32> to vector<16xf32>
        %parallel_loop3A_374 = vector.shape_cast %parallel_loop3A_364 : vector<16xf32> to vector<16xf32>
        tpu.vector_store %arg8[%parallel_loop3A_371], %parallel_loop3A_374 {strides = array<i32>} : memref<8192xf32, #tpu.memory_space<vmem>>, vector<16xf32>,
        %parallel_loop3A_375 = vector.shape_cast %parallel_loop3A_185 : vector<16xi32> to vector<16x1xi32>
        %parallel_loop3A_376 = vector.shape_cast %parallel_loop3A_375 : vector<16x1xi32> to vector<16xi32>
        %parallel_loop3A_377 = tpu.dynamic_gather %parallel_loop3A_348[%parallel_loop3A_376] in [0] : vector<16xf32>, vector<16xi32> -> vector<16xf32>
        %parallel_loop3A_378 = arith.constant 8 : i32
        %parallel_loop3A_379 = arith.muli %parallel_loop3A_158, %parallel_loop3A_378 : i32
        %parallel_loop3A_380 = arith.constant 2 : i32
        %parallel_loop3A_381 = arith.addi %parallel_loop3A_379, %parallel_loop3A_380 : i32
        %parallel_loop3A_382 = arith.constant 16 : i32
        %parallel_loop3A_383 = arith.muli %parallel_loop3A_381, %parallel_loop3A_382 : i32
        %parallel_loop3A_384 = arith.index_cast %parallel_loop3A_383 : i32 to index
        %parallel_loop3A_385 = tpu.vector_load %arg8[%parallel_loop3A_384] {strides = array<i32>} : memref<8192xf32, #tpu.memory_space<vmem>>, vector<16xf32>,
        %parallel_loop3A_386 = vector.shape_cast %parallel_loop3A_385 : vector<16xf32> to vector<16xf32>
        %parallel_loop3A_387 = vector.shape_cast %parallel_loop3A_377 : vector<16xf32> to vector<16xf32>
        tpu.vector_store %arg8[%parallel_loop3A_384], %parallel_loop3A_387 {strides = array<i32>} : memref<8192xf32, #tpu.memory_space<vmem>>, vector<16xf32>,
        %parallel_loop3A_388 = vector.shape_cast %parallel_loop3A_194 : vector<16xi32> to vector<16x1xi32>
        %parallel_loop3A_389 = vector.shape_cast %parallel_loop3A_388 : vector<16x1xi32> to vector<16xi32>
        %parallel_loop3A_390 = tpu.dynamic_gather %parallel_loop3A_348[%parallel_loop3A_389] in [0] : vector<16xf32>, vector<16xi32> -> vector<16xf32>
        %parallel_loop3A_391 = arith.constant 8 : i32
        %parallel_loop3A_392 = arith.muli %parallel_loop3A_158, %parallel_loop3A_391 : i32
        %parallel_loop3A_393 = arith.constant 3 : i32
        %parallel_loop3A_394 = arith.addi %parallel_loop3A_392, %parallel_loop3A_393 : i32
        %parallel_loop3A_395 = arith.constant 16 : i32
        %parallel_loop3A_396 = arith.muli %parallel_loop3A_394, %parallel_loop3A_395 : i32
        %parallel_loop3A_397 = arith.index_cast %parallel_loop3A_396 : i32 to index
        %parallel_loop3A_398 = tpu.vector_load %arg8[%parallel_loop3A_397] {strides = array<i32>} : memref<8192xf32, #tpu.memory_space<vmem>>, vector<16xf32>,
        %parallel_loop3A_399 = vector.shape_cast %parallel_loop3A_398 : vector<16xf32> to vector<16xf32>
        %parallel_loop3A_400 = vector.shape_cast %parallel_loop3A_390 : vector<16xf32> to vector<16xf32>
        tpu.vector_store %arg8[%parallel_loop3A_397], %parallel_loop3A_400 {strides = array<i32>} : memref<8192xf32, #tpu.memory_space<vmem>>, vector<16xf32>,
        %parallel_loop3A_401 = vector.shape_cast %parallel_loop3A_203 : vector<16xi32> to vector<16x1xi32>
        %parallel_loop3A_402 = vector.shape_cast %parallel_loop3A_401 : vector<16x1xi32> to vector<16xi32>
        %parallel_loop3A_403 = tpu.dynamic_gather %parallel_loop3A_348[%parallel_loop3A_402] in [0] : vector<16xf32>, vector<16xi32> -> vector<16xf32>
        %parallel_loop3A_404 = arith.constant 8 : i32
        %parallel_loop3A_405 = arith.muli %parallel_loop3A_158, %parallel_loop3A_404 : i32
        %parallel_loop3A_406 = arith.constant 4 : i32
        %parallel_loop3A_407 = arith.addi %parallel_loop3A_405, %parallel_loop3A_406 : i32
        %parallel_loop3A_408 = arith.constant 16 : i32
        %parallel_loop3A_409 = arith.muli %parallel_loop3A_407, %parallel_loop3A_408 : i32
        %parallel_loop3A_410 = arith.index_cast %parallel_loop3A_409 : i32 to index
        %parallel_loop3A_411 = tpu.vector_load %arg8[%parallel_loop3A_410] {strides = array<i32>} : memref<8192xf32, #tpu.memory_space<vmem>>, vector<16xf32>,
        %parallel_loop3A_412 = vector.shape_cast %parallel_loop3A_411 : vector<16xf32> to vector<16xf32>
        %parallel_loop3A_413 = vector.shape_cast %parallel_loop3A_403 : vector<16xf32> to vector<16xf32>
        tpu.vector_store %arg8[%parallel_loop3A_410], %parallel_loop3A_413 {strides = array<i32>} : memref<8192xf32, #tpu.memory_space<vmem>>, vector<16xf32>,
        %parallel_loop3A_414 = vector.shape_cast %parallel_loop3A_212 : vector<16xi32> to vector<16x1xi32>
        %parallel_loop3A_415 = vector.shape_cast %parallel_loop3A_414 : vector<16x1xi32> to vector<16xi32>
        %parallel_loop3A_416 = tpu.dynamic_gather %parallel_loop3A_348[%parallel_loop3A_415] in [0] : vector<16xf32>, vector<16xi32> -> vector<16xf32>
        %parallel_loop3A_417 = arith.constant 8 : i32
        %parallel_loop3A_418 = arith.muli %parallel_loop3A_158, %parallel_loop3A_417 : i32
        %parallel_loop3A_419 = arith.constant 5 : i32
        %parallel_loop3A_420 = arith.addi %parallel_loop3A_418, %parallel_loop3A_419 : i32
        %parallel_loop3A_421 = arith.constant 16 : i32
        %parallel_loop3A_422 = arith.muli %parallel_loop3A_420, %parallel_loop3A_421 : i32
        %parallel_loop3A_423 = arith.index_cast %parallel_loop3A_422 : i32 to index
        %parallel_loop3A_424 = tpu.vector_load %arg8[%parallel_loop3A_423] {strides = array<i32>} : memref<8192xf32, #tpu.memory_space<vmem>>, vector<16xf32>,
        %parallel_loop3A_425 = vector.shape_cast %parallel_loop3A_424 : vector<16xf32> to vector<16xf32>
        %parallel_loop3A_426 = vector.shape_cast %parallel_loop3A_416 : vector<16xf32> to vector<16xf32>
        tpu.vector_store %arg8[%parallel_loop3A_423], %parallel_loop3A_426 {strides = array<i32>} : memref<8192xf32, #tpu.memory_space<vmem>>, vector<16xf32>,
        %parallel_loop3A_427 = vector.shape_cast %parallel_loop3A_221 : vector<16xi32> to vector<16x1xi32>
        %parallel_loop3A_428 = vector.shape_cast %parallel_loop3A_427 : vector<16x1xi32> to vector<16xi32>
        %parallel_loop3A_429 = tpu.dynamic_gather %parallel_loop3A_348[%parallel_loop3A_428] in [0] : vector<16xf32>, vector<16xi32> -> vector<16xf32>
        %parallel_loop3A_430 = arith.constant 8 : i32
        %parallel_loop3A_431 = arith.muli %parallel_loop3A_158, %parallel_loop3A_430 : i32
        %parallel_loop3A_432 = arith.constant 6 : i32
        %parallel_loop3A_433 = arith.addi %parallel_loop3A_431, %parallel_loop3A_432 : i32
        %parallel_loop3A_434 = arith.constant 16 : i32
        %parallel_loop3A_435 = arith.muli %parallel_loop3A_433, %parallel_loop3A_434 : i32
        %parallel_loop3A_436 = arith.index_cast %parallel_loop3A_435 : i32 to index
        %parallel_loop3A_437 = tpu.vector_load %arg8[%parallel_loop3A_436] {strides = array<i32>} : memref<8192xf32, #tpu.memory_space<vmem>>, vector<16xf32>,
        %parallel_loop3A_438 = vector.shape_cast %parallel_loop3A_437 : vector<16xf32> to vector<16xf32>
        %parallel_loop3A_439 = vector.shape_cast %parallel_loop3A_429 : vector<16xf32> to vector<16xf32>
        tpu.vector_store %arg8[%parallel_loop3A_436], %parallel_loop3A_439 {strides = array<i32>} : memref<8192xf32, #tpu.memory_space<vmem>>, vector<16xf32>,
        %parallel_loop3A_440 = vector.shape_cast %parallel_loop3A_230 : vector<16xi32> to vector<16x1xi32>
        %parallel_loop3A_441 = vector.shape_cast %parallel_loop3A_440 : vector<16x1xi32> to vector<16xi32>
        %parallel_loop3A_442 = tpu.dynamic_gather %parallel_loop3A_348[%parallel_loop3A_441] in [0] : vector<16xf32>, vector<16xi32> -> vector<16xf32>
        %parallel_loop3A_443 = arith.constant 8 : i32
        %parallel_loop3A_444 = arith.muli %parallel_loop3A_158, %parallel_loop3A_443 : i32
        %parallel_loop3A_445 = arith.constant 7 : i32
        %parallel_loop3A_446 = arith.addi %parallel_loop3A_444, %parallel_loop3A_445 : i32
        %parallel_loop3A_447 = arith.constant 16 : i32
        %parallel_loop3A_448 = arith.muli %parallel_loop3A_446, %parallel_loop3A_447 : i32
        %parallel_loop3A_449 = arith.index_cast %parallel_loop3A_448 : i32 to index
        %parallel_loop3A_450 = tpu.vector_load %arg8[%parallel_loop3A_449] {strides = array<i32>} : memref<8192xf32, #tpu.memory_space<vmem>>, vector<16xf32>,
        %parallel_loop3A_451 = vector.shape_cast %parallel_loop3A_450 : vector<16xf32> to vector<16xf32>
        %parallel_loop3A_452 = vector.shape_cast %parallel_loop3A_442 : vector<16xf32> to vector<16xf32>
        tpu.vector_store %arg8[%parallel_loop3A_449], %parallel_loop3A_452 {strides = array<i32>} : memref<8192xf32, #tpu.memory_space<vmem>>, vector<16xf32>,
        %parallel_loop3A_453 = arith.constant 2 : i32
        %parallel_loop3A_454 = arith.addi %add3A_74, %parallel_loop3A_453 : i32
        %parallel_loop3A_455 = arith.constant 10 : i32
        %parallel_loop3A_456 = arith.muli %parallel_loop3A_454, %parallel_loop3A_455 : i32
        %parallel_loop3A_457 = arith.index_cast %parallel_loop3A_456 : i32 to index
        %parallel_loop3A_458 = tpu.vector_load %arg5[%parallel_loop3A_457] {strides = array<i32>} : memref<7856xf32, #tpu.memory_space<vmem>>, vector<16xf32>,
        %parallel_loop3A_459 = vector.shape_cast %parallel_loop3A_458 : vector<16xf32> to vector<16xf32>
        %parallel_loop3A_460 = vector.shape_cast %parallel_loop3A_167 : vector<16xi32> to vector<16x1xi32>
        %parallel_loop3A_461 = vector.shape_cast %parallel_loop3A_460 : vector<16x1xi32> to vector<16xi32>
        %parallel_loop3A_462 = tpu.dynamic_gather %parallel_loop3A_459[%parallel_loop3A_461] in [0] : vector<16xf32>, vector<16xi32> -> vector<16xf32>
        %parallel_loop3A_463 = arith.constant 8 : i32
        %parallel_loop3A_464 = arith.muli %parallel_loop3A_158, %parallel_loop3A_463 : i32
        %parallel_loop3A_465 = arith.constant 0 : i32
        %parallel_loop3A_466 = arith.addi %parallel_loop3A_464, %parallel_loop3A_465 : i32
        %parallel_loop3A_467 = arith.constant 16 : i32
        %parallel_loop3A_468 = arith.muli %parallel_loop3A_466, %parallel_loop3A_467 : i32
        %parallel_loop3A_469 = arith.index_cast %parallel_loop3A_468 : i32 to index
        %parallel_loop3A_470 = tpu.vector_load %arg9[%parallel_loop3A_469] {strides = array<i32>} : memref<8192xf32, #tpu.memory_space<vmem>>, vector<16xf32>,
        %parallel_loop3A_471 = vector.shape_cast %parallel_loop3A_470 : vector<16xf32> to vector<16xf32>
        %parallel_loop3A_472 = vector.shape_cast %parallel_loop3A_462 : vector<16xf32> to vector<16xf32>
        tpu.vector_store %arg9[%parallel_loop3A_469], %parallel_loop3A_472 {strides = array<i32>} : memref<8192xf32, #tpu.memory_space<vmem>>, vector<16xf32>,
        %parallel_loop3A_473 = vector.shape_cast %parallel_loop3A_176 : vector<16xi32> to vector<16x1xi32>
        %parallel_loop3A_474 = vector.shape_cast %parallel_loop3A_473 : vector<16x1xi32> to vector<16xi32>
        %parallel_loop3A_475 = tpu.dynamic_gather %parallel_loop3A_459[%parallel_loop3A_474] in [0] : vector<16xf32>, vector<16xi32> -> vector<16xf32>
        %parallel_loop3A_476 = arith.constant 8 : i32
        %parallel_loop3A_477 = arith.muli %parallel_loop3A_158, %parallel_loop3A_476 : i32
        %parallel_loop3A_478 = arith.constant 1 : i32
        %parallel_loop3A_479 = arith.addi %parallel_loop3A_477, %parallel_loop3A_478 : i32
        %parallel_loop3A_480 = arith.constant 16 : i32
        %parallel_loop3A_481 = arith.muli %parallel_loop3A_479, %parallel_loop3A_480 : i32
        %parallel_loop3A_482 = arith.index_cast %parallel_loop3A_481 : i32 to index
        %parallel_loop3A_483 = tpu.vector_load %arg9[%parallel_loop3A_482] {strides = array<i32>} : memref<8192xf32, #tpu.memory_space<vmem>>, vector<16xf32>,
        %parallel_loop3A_484 = vector.shape_cast %parallel_loop3A_483 : vector<16xf32> to vector<16xf32>
        %parallel_loop3A_485 = vector.shape_cast %parallel_loop3A_475 : vector<16xf32> to vector<16xf32>
        tpu.vector_store %arg9[%parallel_loop3A_482], %parallel_loop3A_485 {strides = array<i32>} : memref<8192xf32, #tpu.memory_space<vmem>>, vector<16xf32>,
        %parallel_loop3A_486 = vector.shape_cast %parallel_loop3A_185 : vector<16xi32> to vector<16x1xi32>
        %parallel_loop3A_487 = vector.shape_cast %parallel_loop3A_486 : vector<16x1xi32> to vector<16xi32>
        %parallel_loop3A_488 = tpu.dynamic_gather %parallel_loop3A_459[%parallel_loop3A_487] in [0] : vector<16xf32>, vector<16xi32> -> vector<16xf32>
        %parallel_loop3A_489 = arith.constant 8 : i32
        %parallel_loop3A_490 = arith.muli %parallel_loop3A_158, %parallel_loop3A_489 : i32
        %parallel_loop3A_491 = arith.constant 2 : i32
        %parallel_loop3A_492 = arith.addi %parallel_loop3A_490, %parallel_loop3A_491 : i32
        %parallel_loop3A_493 = arith.constant 16 : i32
        %parallel_loop3A_494 = arith.muli %parallel_loop3A_492, %parallel_loop3A_493 : i32
        %parallel_loop3A_495 = arith.index_cast %parallel_loop3A_494 : i32 to index
        %parallel_loop3A_496 = tpu.vector_load %arg9[%parallel_loop3A_495] {strides = array<i32>} : memref<8192xf32, #tpu.memory_space<vmem>>, vector<16xf32>,
        %parallel_loop3A_497 = vector.shape_cast %parallel_loop3A_496 : vector<16xf32> to vector<16xf32>
        %parallel_loop3A_498 = vector.shape_cast %parallel_loop3A_488 : vector<16xf32> to vector<16xf32>
        tpu.vector_store %arg9[%parallel_loop3A_495], %parallel_loop3A_498 {strides = array<i32>} : memref<8192xf32, #tpu.memory_space<vmem>>, vector<16xf32>,
        %parallel_loop3A_499 = vector.shape_cast %parallel_loop3A_194 : vector<16xi32> to vector<16x1xi32>
        %parallel_loop3A_500 = vector.shape_cast %parallel_loop3A_499 : vector<16x1xi32> to vector<16xi32>
        %parallel_loop3A_501 = tpu.dynamic_gather %parallel_loop3A_459[%parallel_loop3A_500] in [0] : vector<16xf32>, vector<16xi32> -> vector<16xf32>
        %parallel_loop3A_502 = arith.constant 8 : i32
        %parallel_loop3A_503 = arith.muli %parallel_loop3A_158, %parallel_loop3A_502 : i32
        %parallel_loop3A_504 = arith.constant 3 : i32
        %parallel_loop3A_505 = arith.addi %parallel_loop3A_503, %parallel_loop3A_504 : i32
        %parallel_loop3A_506 = arith.constant 16 : i32
        %parallel_loop3A_507 = arith.muli %parallel_loop3A_505, %parallel_loop3A_506 : i32
        %parallel_loop3A_508 = arith.index_cast %parallel_loop3A_507 : i32 to index
        %parallel_loop3A_509 = tpu.vector_load %arg9[%parallel_loop3A_508] {strides = array<i32>} : memref<8192xf32, #tpu.memory_space<vmem>>, vector<16xf32>,
        %parallel_loop3A_510 = vector.shape_cast %parallel_loop3A_509 : vector<16xf32> to vector<16xf32>
        %parallel_loop3A_511 = vector.shape_cast %parallel_loop3A_501 : vector<16xf32> to vector<16xf32>
        tpu.vector_store %arg9[%parallel_loop3A_508], %parallel_loop3A_511 {strides = array<i32>} : memref<8192xf32, #tpu.memory_space<vmem>>, vector<16xf32>,
        %parallel_loop3A_512 = vector.shape_cast %parallel_loop3A_203 : vector<16xi32> to vector<16x1xi32>
        %parallel_loop3A_513 = vector.shape_cast %parallel_loop3A_512 : vector<16x1xi32> to vector<16xi32>
        %parallel_loop3A_514 = tpu.dynamic_gather %parallel_loop3A_459[%parallel_loop3A_513] in [0] : vector<16xf32>, vector<16xi32> -> vector<16xf32>
        %parallel_loop3A_515 = arith.constant 8 : i32
        %parallel_loop3A_516 = arith.muli %parallel_loop3A_158, %parallel_loop3A_515 : i32
        %parallel_loop3A_517 = arith.constant 4 : i32
        %parallel_loop3A_518 = arith.addi %parallel_loop3A_516, %parallel_loop3A_517 : i32
        %parallel_loop3A_519 = arith.constant 16 : i32
        %parallel_loop3A_520 = arith.muli %parallel_loop3A_518, %parallel_loop3A_519 : i32
        %parallel_loop3A_521 = arith.index_cast %parallel_loop3A_520 : i32 to index
        %parallel_loop3A_522 = tpu.vector_load %arg9[%parallel_loop3A_521] {strides = array<i32>} : memref<8192xf32, #tpu.memory_space<vmem>>, vector<16xf32>,
        %parallel_loop3A_523 = vector.shape_cast %parallel_loop3A_522 : vector<16xf32> to vector<16xf32>
        %parallel_loop3A_524 = vector.shape_cast %parallel_loop3A_514 : vector<16xf32> to vector<16xf32>
        tpu.vector_store %arg9[%parallel_loop3A_521], %parallel_loop3A_524 {strides = array<i32>} : memref<8192xf32, #tpu.memory_space<vmem>>, vector<16xf32>,
        %parallel_loop3A_525 = vector.shape_cast %parallel_loop3A_212 : vector<16xi32> to vector<16x1xi32>
        %parallel_loop3A_526 = vector.shape_cast %parallel_loop3A_525 : vector<16x1xi32> to vector<16xi32>
        %parallel_loop3A_527 = tpu.dynamic_gather %parallel_loop3A_459[%parallel_loop3A_526] in [0] : vector<16xf32>, vector<16xi32> -> vector<16xf32>
        %parallel_loop3A_528 = arith.constant 8 : i32
        %parallel_loop3A_529 = arith.muli %parallel_loop3A_158, %parallel_loop3A_528 : i32
        %parallel_loop3A_530 = arith.constant 5 : i32
        %parallel_loop3A_531 = arith.addi %parallel_loop3A_529, %parallel_loop3A_530 : i32
        %parallel_loop3A_532 = arith.constant 16 : i32
        %parallel_loop3A_533 = arith.muli %parallel_loop3A_531, %parallel_loop3A_532 : i32
        %parallel_loop3A_534 = arith.index_cast %parallel_loop3A_533 : i32 to index
        %parallel_loop3A_535 = tpu.vector_load %arg9[%parallel_loop3A_534] {strides = array<i32>} : memref<8192xf32, #tpu.memory_space<vmem>>, vector<16xf32>,
        %parallel_loop3A_536 = vector.shape_cast %parallel_loop3A_535 : vector<16xf32> to vector<16xf32>
        %parallel_loop3A_537 = vector.shape_cast %parallel_loop3A_527 : vector<16xf32> to vector<16xf32>
        tpu.vector_store %arg9[%parallel_loop3A_534], %parallel_loop3A_537 {strides = array<i32>} : memref<8192xf32, #tpu.memory_space<vmem>>, vector<16xf32>,
        %parallel_loop3A_538 = vector.shape_cast %parallel_loop3A_221 : vector<16xi32> to vector<16x1xi32>
        %parallel_loop3A_539 = vector.shape_cast %parallel_loop3A_538 : vector<16x1xi32> to vector<16xi32>
        %parallel_loop3A_540 = tpu.dynamic_gather %parallel_loop3A_459[%parallel_loop3A_539] in [0] : vector<16xf32>, vector<16xi32> -> vector<16xf32>
        %parallel_loop3A_541 = arith.constant 8 : i32
        %parallel_loop3A_542 = arith.muli %parallel_loop3A_158, %parallel_loop3A_541 : i32
        %parallel_loop3A_543 = arith.constant 6 : i32
        %parallel_loop3A_544 = arith.addi %parallel_loop3A_542, %parallel_loop3A_543 : i32
        %parallel_loop3A_545 = arith.constant 16 : i32
        %parallel_loop3A_546 = arith.muli %parallel_loop3A_544, %parallel_loop3A_545 : i32
        %parallel_loop3A_547 = arith.index_cast %parallel_loop3A_546 : i32 to index
        %parallel_loop3A_548 = tpu.vector_load %arg9[%parallel_loop3A_547] {strides = array<i32>} : memref<8192xf32, #tpu.memory_space<vmem>>, vector<16xf32>,
        %parallel_loop3A_549 = vector.shape_cast %parallel_loop3A_548 : vector<16xf32> to vector<16xf32>
        %parallel_loop3A_550 = vector.shape_cast %parallel_loop3A_540 : vector<16xf32> to vector<16xf32>
        tpu.vector_store %arg9[%parallel_loop3A_547], %parallel_loop3A_550 {strides = array<i32>} : memref<8192xf32, #tpu.memory_space<vmem>>, vector<16xf32>,
        %parallel_loop3A_551 = vector.shape_cast %parallel_loop3A_230 : vector<16xi32> to vector<16x1xi32>
        %parallel_loop3A_552 = vector.shape_cast %parallel_loop3A_551 : vector<16x1xi32> to vector<16xi32>
        %parallel_loop3A_553 = tpu.dynamic_gather %parallel_loop3A_459[%parallel_loop3A_552] in [0] : vector<16xf32>, vector<16xi32> -> vector<16xf32>
        %parallel_loop3A_554 = arith.constant 8 : i32
        %parallel_loop3A_555 = arith.muli %parallel_loop3A_158, %parallel_loop3A_554 : i32
        %parallel_loop3A_556 = arith.constant 7 : i32
        %parallel_loop3A_557 = arith.addi %parallel_loop3A_555, %parallel_loop3A_556 : i32
        %parallel_loop3A_558 = arith.constant 16 : i32
        %parallel_loop3A_559 = arith.muli %parallel_loop3A_557, %parallel_loop3A_558 : i32
        %parallel_loop3A_560 = arith.index_cast %parallel_loop3A_559 : i32 to index
        %parallel_loop3A_561 = tpu.vector_load %arg9[%parallel_loop3A_560] {strides = array<i32>} : memref<8192xf32, #tpu.memory_space<vmem>>, vector<16xf32>,
        %parallel_loop3A_562 = vector.shape_cast %parallel_loop3A_561 : vector<16xf32> to vector<16xf32>
        %parallel_loop3A_563 = vector.shape_cast %parallel_loop3A_553 : vector<16xf32> to vector<16xf32>
        tpu.vector_store %arg9[%parallel_loop3A_560], %parallel_loop3A_563 {strides = array<i32>} : memref<8192xf32, #tpu.memory_space<vmem>>, vector<16xf32>,
        %parallel_loop3A_564 = arith.constant 3 : i32
        %parallel_loop3A_565 = arith.addi %add3A_74, %parallel_loop3A_564 : i32
        %parallel_loop3A_566 = arith.constant 10 : i32
        %parallel_loop3A_567 = arith.muli %parallel_loop3A_565, %parallel_loop3A_566 : i32
        %parallel_loop3A_568 = arith.index_cast %parallel_loop3A_567 : i32 to index
        %parallel_loop3A_569 = tpu.vector_load %arg5[%parallel_loop3A_568] {strides = array<i32>} : memref<7856xf32, #tpu.memory_space<vmem>>, vector<16xf32>,
        %parallel_loop3A_570 = vector.shape_cast %parallel_loop3A_569 : vector<16xf32> to vector<16xf32>
        %parallel_loop3A_571 = vector.shape_cast %parallel_loop3A_167 : vector<16xi32> to vector<16x1xi32>
        %parallel_loop3A_572 = vector.shape_cast %parallel_loop3A_571 : vector<16x1xi32> to vector<16xi32>
        %parallel_loop3A_573 = tpu.dynamic_gather %parallel_loop3A_570[%parallel_loop3A_572] in [0] : vector<16xf32>, vector<16xi32> -> vector<16xf32>
        %parallel_loop3A_574 = arith.constant 8 : i32
        %parallel_loop3A_575 = arith.muli %parallel_loop3A_158, %parallel_loop3A_574 : i32
        %parallel_loop3A_576 = arith.constant 0 : i32
        %parallel_loop3A_577 = arith.addi %parallel_loop3A_575, %parallel_loop3A_576 : i32
        %parallel_loop3A_578 = arith.constant 16 : i32
        %parallel_loop3A_579 = arith.muli %parallel_loop3A_577, %parallel_loop3A_578 : i32
        %parallel_loop3A_580 = arith.index_cast %parallel_loop3A_579 : i32 to index
        %parallel_loop3A_581 = tpu.vector_load %arg10[%parallel_loop3A_580] {strides = array<i32>} : memref<8192xf32, #tpu.memory_space<vmem>>, vector<16xf32>,
        %parallel_loop3A_582 = vector.shape_cast %parallel_loop3A_581 : vector<16xf32> to vector<16xf32>
        %parallel_loop3A_583 = vector.shape_cast %parallel_loop3A_573 : vector<16xf32> to vector<16xf32>
        tpu.vector_store %arg10[%parallel_loop3A_580], %parallel_loop3A_583 {strides = array<i32>} : memref<8192xf32, #tpu.memory_space<vmem>>, vector<16xf32>,
        %parallel_loop3A_584 = vector.shape_cast %parallel_loop3A_176 : vector<16xi32> to vector<16x1xi32>
        %parallel_loop3A_585 = vector.shape_cast %parallel_loop3A_584 : vector<16x1xi32> to vector<16xi32>
        %parallel_loop3A_586 = tpu.dynamic_gather %parallel_loop3A_570[%parallel_loop3A_585] in [0] : vector<16xf32>, vector<16xi32> -> vector<16xf32>
        %parallel_loop3A_587 = arith.constant 8 : i32
        %parallel_loop3A_588 = arith.muli %parallel_loop3A_158, %parallel_loop3A_587 : i32
        %parallel_loop3A_589 = arith.constant 1 : i32
        %parallel_loop3A_590 = arith.addi %parallel_loop3A_588, %parallel_loop3A_589 : i32
        %parallel_loop3A_591 = arith.constant 16 : i32
        %parallel_loop3A_592 = arith.muli %parallel_loop3A_590, %parallel_loop3A_591 : i32
        %parallel_loop3A_593 = arith.index_cast %parallel_loop3A_592 : i32 to index
        %parallel_loop3A_594 = tpu.vector_load %arg10[%parallel_loop3A_593] {strides = array<i32>} : memref<8192xf32, #tpu.memory_space<vmem>>, vector<16xf32>,
        %parallel_loop3A_595 = vector.shape_cast %parallel_loop3A_594 : vector<16xf32> to vector<16xf32>
        %parallel_loop3A_596 = vector.shape_cast %parallel_loop3A_586 : vector<16xf32> to vector<16xf32>
        tpu.vector_store %arg10[%parallel_loop3A_593], %parallel_loop3A_596 {strides = array<i32>} : memref<8192xf32, #tpu.memory_space<vmem>>, vector<16xf32>,
        %parallel_loop3A_597 = vector.shape_cast %parallel_loop3A_185 : vector<16xi32> to vector<16x1xi32>
        %parallel_loop3A_598 = vector.shape_cast %parallel_loop3A_597 : vector<16x1xi32> to vector<16xi32>
        %parallel_loop3A_599 = tpu.dynamic_gather %parallel_loop3A_570[%parallel_loop3A_598] in [0] : vector<16xf32>, vector<16xi32> -> vector<16xf32>
        %parallel_loop3A_600 = arith.constant 8 : i32
        %parallel_loop3A_601 = arith.muli %parallel_loop3A_158, %parallel_loop3A_600 : i32
        %parallel_loop3A_602 = arith.constant 2 : i32
        %parallel_loop3A_603 = arith.addi %parallel_loop3A_601, %parallel_loop3A_602 : i32
        %parallel_loop3A_604 = arith.constant 16 : i32
        %parallel_loop3A_605 = arith.muli %parallel_loop3A_603, %parallel_loop3A_604 : i32
        %parallel_loop3A_606 = arith.index_cast %parallel_loop3A_605 : i32 to index
        %parallel_loop3A_607 = tpu.vector_load %arg10[%parallel_loop3A_606] {strides = array<i32>} : memref<8192xf32, #tpu.memory_space<vmem>>, vector<16xf32>,
        %parallel_loop3A_608 = vector.shape_cast %parallel_loop3A_607 : vector<16xf32> to vector<16xf32>
        %parallel_loop3A_609 = vector.shape_cast %parallel_loop3A_599 : vector<16xf32> to vector<16xf32>
        tpu.vector_store %arg10[%parallel_loop3A_606], %parallel_loop3A_609 {strides = array<i32>} : memref<8192xf32, #tpu.memory_space<vmem>>, vector<16xf32>,
        %parallel_loop3A_610 = vector.shape_cast %parallel_loop3A_194 : vector<16xi32> to vector<16x1xi32>
        %parallel_loop3A_611 = vector.shape_cast %parallel_loop3A_610 : vector<16x1xi32> to vector<16xi32>
        %parallel_loop3A_612 = tpu.dynamic_gather %parallel_loop3A_570[%parallel_loop3A_611] in [0] : vector<16xf32>, vector<16xi32> -> vector<16xf32>
        %parallel_loop3A_613 = arith.constant 8 : i32
        %parallel_loop3A_614 = arith.muli %parallel_loop3A_158, %parallel_loop3A_613 : i32
        %parallel_loop3A_615 = arith.constant 3 : i32
        %parallel_loop3A_616 = arith.addi %parallel_loop3A_614, %parallel_loop3A_615 : i32
        %parallel_loop3A_617 = arith.constant 16 : i32
        %parallel_loop3A_618 = arith.muli %parallel_loop3A_616, %parallel_loop3A_617 : i32
        %parallel_loop3A_619 = arith.index_cast %parallel_loop3A_618 : i32 to index
        %parallel_loop3A_620 = tpu.vector_load %arg10[%parallel_loop3A_619] {strides = array<i32>} : memref<8192xf32, #tpu.memory_space<vmem>>, vector<16xf32>,
        %parallel_loop3A_621 = vector.shape_cast %parallel_loop3A_620 : vector<16xf32> to vector<16xf32>
        %parallel_loop3A_622 = vector.shape_cast %parallel_loop3A_612 : vector<16xf32> to vector<16xf32>
        tpu.vector_store %arg10[%parallel_loop3A_619], %parallel_loop3A_622 {strides = array<i32>} : memref<8192xf32, #tpu.memory_space<vmem>>, vector<16xf32>,
        %parallel_loop3A_623 = vector.shape_cast %parallel_loop3A_203 : vector<16xi32> to vector<16x1xi32>
        %parallel_loop3A_624 = vector.shape_cast %parallel_loop3A_623 : vector<16x1xi32> to vector<16xi32>
        %parallel_loop3A_625 = tpu.dynamic_gather %parallel_loop3A_570[%parallel_loop3A_624] in [0] : vector<16xf32>, vector<16xi32> -> vector<16xf32>
        %parallel_loop3A_626 = arith.constant 8 : i32
        %parallel_loop3A_627 = arith.muli %parallel_loop3A_158, %parallel_loop3A_626 : i32
        %parallel_loop3A_628 = arith.constant 4 : i32
        %parallel_loop3A_629 = arith.addi %parallel_loop3A_627, %parallel_loop3A_628 : i32
        %parallel_loop3A_630 = arith.constant 16 : i32
        %parallel_loop3A_631 = arith.muli %parallel_loop3A_629, %parallel_loop3A_630 : i32
        %parallel_loop3A_632 = arith.index_cast %parallel_loop3A_631 : i32 to index
        %parallel_loop3A_633 = tpu.vector_load %arg10[%parallel_loop3A_632] {strides = array<i32>} : memref<8192xf32, #tpu.memory_space<vmem>>, vector<16xf32>,
        %parallel_loop3A_634 = vector.shape_cast %parallel_loop3A_633 : vector<16xf32> to vector<16xf32>
        %parallel_loop3A_635 = vector.shape_cast %parallel_loop3A_625 : vector<16xf32> to vector<16xf32>
        tpu.vector_store %arg10[%parallel_loop3A_632], %parallel_loop3A_635 {strides = array<i32>} : memref<8192xf32, #tpu.memory_space<vmem>>, vector<16xf32>,
        %parallel_loop3A_636 = vector.shape_cast %parallel_loop3A_212 : vector<16xi32> to vector<16x1xi32>
        %parallel_loop3A_637 = vector.shape_cast %parallel_loop3A_636 : vector<16x1xi32> to vector<16xi32>
        %parallel_loop3A_638 = tpu.dynamic_gather %parallel_loop3A_570[%parallel_loop3A_637] in [0] : vector<16xf32>, vector<16xi32> -> vector<16xf32>
        %parallel_loop3A_639 = arith.constant 8 : i32
        %parallel_loop3A_640 = arith.muli %parallel_loop3A_158, %parallel_loop3A_639 : i32
        %parallel_loop3A_641 = arith.constant 5 : i32
        %parallel_loop3A_642 = arith.addi %parallel_loop3A_640, %parallel_loop3A_641 : i32
        %parallel_loop3A_643 = arith.constant 16 : i32
        %parallel_loop3A_644 = arith.muli %parallel_loop3A_642, %parallel_loop3A_643 : i32
        %parallel_loop3A_645 = arith.index_cast %parallel_loop3A_644 : i32 to index
        %parallel_loop3A_646 = tpu.vector_load %arg10[%parallel_loop3A_645] {strides = array<i32>} : memref<8192xf32, #tpu.memory_space<vmem>>, vector<16xf32>,
        %parallel_loop3A_647 = vector.shape_cast %parallel_loop3A_646 : vector<16xf32> to vector<16xf32>
        %parallel_loop3A_648 = vector.shape_cast %parallel_loop3A_638 : vector<16xf32> to vector<16xf32>
        tpu.vector_store %arg10[%parallel_loop3A_645], %parallel_loop3A_648 {strides = array<i32>} : memref<8192xf32, #tpu.memory_space<vmem>>, vector<16xf32>,
        %parallel_loop3A_649 = vector.shape_cast %parallel_loop3A_221 : vector<16xi32> to vector<16x1xi32>
        %parallel_loop3A_650 = vector.shape_cast %parallel_loop3A_649 : vector<16x1xi32> to vector<16xi32>
        %parallel_loop3A_651 = tpu.dynamic_gather %parallel_loop3A_570[%parallel_loop3A_650] in [0] : vector<16xf32>, vector<16xi32> -> vector<16xf32>
        %parallel_loop3A_652 = arith.constant 8 : i32
        %parallel_loop3A_653 = arith.muli %parallel_loop3A_158, %parallel_loop3A_652 : i32
        %parallel_loop3A_654 = arith.constant 6 : i32
        %parallel_loop3A_655 = arith.addi %parallel_loop3A_653, %parallel_loop3A_654 : i32
        %parallel_loop3A_656 = arith.constant 16 : i32
        %parallel_loop3A_657 = arith.muli %parallel_loop3A_655, %parallel_loop3A_656 : i32
        %parallel_loop3A_658 = arith.index_cast %parallel_loop3A_657 : i32 to index
        %parallel_loop3A_659 = tpu.vector_load %arg10[%parallel_loop3A_658] {strides = array<i32>} : memref<8192xf32, #tpu.memory_space<vmem>>, vector<16xf32>,
        %parallel_loop3A_660 = vector.shape_cast %parallel_loop3A_659 : vector<16xf32> to vector<16xf32>
        %parallel_loop3A_661 = vector.shape_cast %parallel_loop3A_651 : vector<16xf32> to vector<16xf32>
        tpu.vector_store %arg10[%parallel_loop3A_658], %parallel_loop3A_661 {strides = array<i32>} : memref<8192xf32, #tpu.memory_space<vmem>>, vector<16xf32>,
        %parallel_loop3A_662 = vector.shape_cast %parallel_loop3A_230 : vector<16xi32> to vector<16x1xi32>
        %parallel_loop3A_663 = vector.shape_cast %parallel_loop3A_662 : vector<16x1xi32> to vector<16xi32>
        %parallel_loop3A_664 = tpu.dynamic_gather %parallel_loop3A_570[%parallel_loop3A_663] in [0] : vector<16xf32>, vector<16xi32> -> vector<16xf32>
        %parallel_loop3A_665 = arith.constant 8 : i32
        %parallel_loop3A_666 = arith.muli %parallel_loop3A_158, %parallel_loop3A_665 : i32
        %parallel_loop3A_667 = arith.constant 7 : i32
        %parallel_loop3A_668 = arith.addi %parallel_loop3A_666, %parallel_loop3A_667 : i32
        %parallel_loop3A_669 = arith.constant 16 : i32
        %parallel_loop3A_670 = arith.muli %parallel_loop3A_668, %parallel_loop3A_669 : i32
        %parallel_loop3A_671 = arith.index_cast %parallel_loop3A_670 : i32 to index
        %parallel_loop3A_672 = tpu.vector_load %arg10[%parallel_loop3A_671] {strides = array<i32>} : memref<8192xf32, #tpu.memory_space<vmem>>, vector<16xf32>,
        %parallel_loop3A_673 = vector.shape_cast %parallel_loop3A_672 : vector<16xf32> to vector<16xf32>
        %parallel_loop3A_674 = vector.shape_cast %parallel_loop3A_664 : vector<16xf32> to vector<16xf32>
        tpu.vector_store %arg10[%parallel_loop3A_671], %parallel_loop3A_674 {strides = array<i32>} : memref<8192xf32, #tpu.memory_space<vmem>>, vector<16xf32>,
        %parallel_loop3A_675 = arith.constant 4 : i32
        %parallel_loop3A_676 = arith.addi %add3A_74, %parallel_loop3A_675 : i32
        %parallel_loop3A_677 = arith.constant 10 : i32
        %parallel_loop3A_678 = arith.muli %parallel_loop3A_676, %parallel_loop3A_677 : i32
        %parallel_loop3A_679 = arith.index_cast %parallel_loop3A_678 : i32 to index
        %parallel_loop3A_680 = tpu.vector_load %arg5[%parallel_loop3A_679] {strides = array<i32>} : memref<7856xf32, #tpu.memory_space<vmem>>, vector<16xf32>,
        %parallel_loop3A_681 = vector.shape_cast %parallel_loop3A_680 : vector<16xf32> to vector<16xf32>
        %parallel_loop3A_682 = vector.shape_cast %parallel_loop3A_167 : vector<16xi32> to vector<16x1xi32>
        %parallel_loop3A_683 = vector.shape_cast %parallel_loop3A_682 : vector<16x1xi32> to vector<16xi32>
        %parallel_loop3A_684 = tpu.dynamic_gather %parallel_loop3A_681[%parallel_loop3A_683] in [0] : vector<16xf32>, vector<16xi32> -> vector<16xf32>
        %parallel_loop3A_685 = arith.constant 8 : i32
        %parallel_loop3A_686 = arith.muli %parallel_loop3A_158, %parallel_loop3A_685 : i32
        %parallel_loop3A_687 = arith.constant 0 : i32
        %parallel_loop3A_688 = arith.addi %parallel_loop3A_686, %parallel_loop3A_687 : i32
        %parallel_loop3A_689 = arith.constant 16 : i32
        %parallel_loop3A_690 = arith.muli %parallel_loop3A_688, %parallel_loop3A_689 : i32
        %parallel_loop3A_691 = arith.index_cast %parallel_loop3A_690 : i32 to index
        %parallel_loop3A_692 = tpu.vector_load %arg11[%parallel_loop3A_691] {strides = array<i32>} : memref<8192xf32, #tpu.memory_space<vmem>>, vector<16xf32>,
        %parallel_loop3A_693 = vector.shape_cast %parallel_loop3A_692 : vector<16xf32> to vector<16xf32>
        %parallel_loop3A_694 = vector.shape_cast %parallel_loop3A_684 : vector<16xf32> to vector<16xf32>
        tpu.vector_store %arg11[%parallel_loop3A_691], %parallel_loop3A_694 {strides = array<i32>} : memref<8192xf32, #tpu.memory_space<vmem>>, vector<16xf32>,
        %parallel_loop3A_695 = vector.shape_cast %parallel_loop3A_176 : vector<16xi32> to vector<16x1xi32>
        %parallel_loop3A_696 = vector.shape_cast %parallel_loop3A_695 : vector<16x1xi32> to vector<16xi32>
        %parallel_loop3A_697 = tpu.dynamic_gather %parallel_loop3A_681[%parallel_loop3A_696] in [0] : vector<16xf32>, vector<16xi32> -> vector<16xf32>
        %parallel_loop3A_698 = arith.constant 8 : i32
        %parallel_loop3A_699 = arith.muli %parallel_loop3A_158, %parallel_loop3A_698 : i32
        %parallel_loop3A_700 = arith.constant 1 : i32
        %parallel_loop3A_701 = arith.addi %parallel_loop3A_699, %parallel_loop3A_700 : i32
        %parallel_loop3A_702 = arith.constant 16 : i32
        %parallel_loop3A_703 = arith.muli %parallel_loop3A_701, %parallel_loop3A_702 : i32
        %parallel_loop3A_704 = arith.index_cast %parallel_loop3A_703 : i32 to index
        %parallel_loop3A_705 = tpu.vector_load %arg11[%parallel_loop3A_704] {strides = array<i32>} : memref<8192xf32, #tpu.memory_space<vmem>>, vector<16xf32>,
        %parallel_loop3A_706 = vector.shape_cast %parallel_loop3A_705 : vector<16xf32> to vector<16xf32>
        %parallel_loop3A_707 = vector.shape_cast %parallel_loop3A_697 : vector<16xf32> to vector<16xf32>
        tpu.vector_store %arg11[%parallel_loop3A_704], %parallel_loop3A_707 {strides = array<i32>} : memref<8192xf32, #tpu.memory_space<vmem>>, vector<16xf32>,
        %parallel_loop3A_708 = vector.shape_cast %parallel_loop3A_185 : vector<16xi32> to vector<16x1xi32>
        %parallel_loop3A_709 = vector.shape_cast %parallel_loop3A_708 : vector<16x1xi32> to vector<16xi32>
        %parallel_loop3A_710 = tpu.dynamic_gather %parallel_loop3A_681[%parallel_loop3A_709] in [0] : vector<16xf32>, vector<16xi32> -> vector<16xf32>
        %parallel_loop3A_711 = arith.constant 8 : i32
        %parallel_loop3A_712 = arith.muli %parallel_loop3A_158, %parallel_loop3A_711 : i32
        %parallel_loop3A_713 = arith.constant 2 : i32
        %parallel_loop3A_714 = arith.addi %parallel_loop3A_712, %parallel_loop3A_713 : i32
        %parallel_loop3A_715 = arith.constant 16 : i32
        %parallel_loop3A_716 = arith.muli %parallel_loop3A_714, %parallel_loop3A_715 : i32
        %parallel_loop3A_717 = arith.index_cast %parallel_loop3A_716 : i32 to index
        %parallel_loop3A_718 = tpu.vector_load %arg11[%parallel_loop3A_717] {strides = array<i32>} : memref<8192xf32, #tpu.memory_space<vmem>>, vector<16xf32>,
        %parallel_loop3A_719 = vector.shape_cast %parallel_loop3A_718 : vector<16xf32> to vector<16xf32>
        %parallel_loop3A_720 = vector.shape_cast %parallel_loop3A_710 : vector<16xf32> to vector<16xf32>
        tpu.vector_store %arg11[%parallel_loop3A_717], %parallel_loop3A_720 {strides = array<i32>} : memref<8192xf32, #tpu.memory_space<vmem>>, vector<16xf32>,
        %parallel_loop3A_721 = vector.shape_cast %parallel_loop3A_194 : vector<16xi32> to vector<16x1xi32>
        %parallel_loop3A_722 = vector.shape_cast %parallel_loop3A_721 : vector<16x1xi32> to vector<16xi32>
        %parallel_loop3A_723 = tpu.dynamic_gather %parallel_loop3A_681[%parallel_loop3A_722] in [0] : vector<16xf32>, vector<16xi32> -> vector<16xf32>
        %parallel_loop3A_724 = arith.constant 8 : i32
        %parallel_loop3A_725 = arith.muli %parallel_loop3A_158, %parallel_loop3A_724 : i32
        %parallel_loop3A_726 = arith.constant 3 : i32
        %parallel_loop3A_727 = arith.addi %parallel_loop3A_725, %parallel_loop3A_726 : i32
        %parallel_loop3A_728 = arith.constant 16 : i32
        %parallel_loop3A_729 = arith.muli %parallel_loop3A_727, %parallel_loop3A_728 : i32
        %parallel_loop3A_730 = arith.index_cast %parallel_loop3A_729 : i32 to index
        %parallel_loop3A_731 = tpu.vector_load %arg11[%parallel_loop3A_730] {strides = array<i32>} : memref<8192xf32, #tpu.memory_space<vmem>>, vector<16xf32>,
        %parallel_loop3A_732 = vector.shape_cast %parallel_loop3A_731 : vector<16xf32> to vector<16xf32>
        %parallel_loop3A_733 = vector.shape_cast %parallel_loop3A_723 : vector<16xf32> to vector<16xf32>
        tpu.vector_store %arg11[%parallel_loop3A_730], %parallel_loop3A_733 {strides = array<i32>} : memref<8192xf32, #tpu.memory_space<vmem>>, vector<16xf32>,
        %parallel_loop3A_734 = vector.shape_cast %parallel_loop3A_203 : vector<16xi32> to vector<16x1xi32>
        %parallel_loop3A_735 = vector.shape_cast %parallel_loop3A_734 : vector<16x1xi32> to vector<16xi32>
        %parallel_loop3A_736 = tpu.dynamic_gather %parallel_loop3A_681[%parallel_loop3A_735] in [0] : vector<16xf32>, vector<16xi32> -> vector<16xf32>
        %parallel_loop3A_737 = arith.constant 8 : i32
        %parallel_loop3A_738 = arith.muli %parallel_loop3A_158, %parallel_loop3A_737 : i32
        %parallel_loop3A_739 = arith.constant 4 : i32
        %parallel_loop3A_740 = arith.addi %parallel_loop3A_738, %parallel_loop3A_739 : i32
        %parallel_loop3A_741 = arith.constant 16 : i32
        %parallel_loop3A_742 = arith.muli %parallel_loop3A_740, %parallel_loop3A_741 : i32
        %parallel_loop3A_743 = arith.index_cast %parallel_loop3A_742 : i32 to index
        %parallel_loop3A_744 = tpu.vector_load %arg11[%parallel_loop3A_743] {strides = array<i32>} : memref<8192xf32, #tpu.memory_space<vmem>>, vector<16xf32>,
        %parallel_loop3A_745 = vector.shape_cast %parallel_loop3A_744 : vector<16xf32> to vector<16xf32>
        %parallel_loop3A_746 = vector.shape_cast %parallel_loop3A_736 : vector<16xf32> to vector<16xf32>
        tpu.vector_store %arg11[%parallel_loop3A_743], %parallel_loop3A_746 {strides = array<i32>} : memref<8192xf32, #tpu.memory_space<vmem>>, vector<16xf32>,
        %parallel_loop3A_747 = vector.shape_cast %parallel_loop3A_212 : vector<16xi32> to vector<16x1xi32>
        %parallel_loop3A_748 = vector.shape_cast %parallel_loop3A_747 : vector<16x1xi32> to vector<16xi32>
        %parallel_loop3A_749 = tpu.dynamic_gather %parallel_loop3A_681[%parallel_loop3A_748] in [0] : vector<16xf32>, vector<16xi32> -> vector<16xf32>
        %parallel_loop3A_750 = arith.constant 8 : i32
        %parallel_loop3A_751 = arith.muli %parallel_loop3A_158, %parallel_loop3A_750 : i32
        %parallel_loop3A_752 = arith.constant 5 : i32
        %parallel_loop3A_753 = arith.addi %parallel_loop3A_751, %parallel_loop3A_752 : i32
        %parallel_loop3A_754 = arith.constant 16 : i32
        %parallel_loop3A_755 = arith.muli %parallel_loop3A_753, %parallel_loop3A_754 : i32
        %parallel_loop3A_756 = arith.index_cast %parallel_loop3A_755 : i32 to index
        %parallel_loop3A_757 = tpu.vector_load %arg11[%parallel_loop3A_756] {strides = array<i32>} : memref<8192xf32, #tpu.memory_space<vmem>>, vector<16xf32>,
        %parallel_loop3A_758 = vector.shape_cast %parallel_loop3A_757 : vector<16xf32> to vector<16xf32>
        %parallel_loop3A_759 = vector.shape_cast %parallel_loop3A_749 : vector<16xf32> to vector<16xf32>
        tpu.vector_store %arg11[%parallel_loop3A_756], %parallel_loop3A_759 {strides = array<i32>} : memref<8192xf32, #tpu.memory_space<vmem>>, vector<16xf32>,
        %parallel_loop3A_760 = vector.shape_cast %parallel_loop3A_221 : vector<16xi32> to vector<16x1xi32>
        %parallel_loop3A_761 = vector.shape_cast %parallel_loop3A_760 : vector<16x1xi32> to vector<16xi32>
        %parallel_loop3A_762 = tpu.dynamic_gather %parallel_loop3A_681[%parallel_loop3A_761] in [0] : vector<16xf32>, vector<16xi32> -> vector<16xf32>
        %parallel_loop3A_763 = arith.constant 8 : i32
        %parallel_loop3A_764 = arith.muli %parallel_loop3A_158, %parallel_loop3A_763 : i32
        %parallel_loop3A_765 = arith.constant 6 : i32
        %parallel_loop3A_766 = arith.addi %parallel_loop3A_764, %parallel_loop3A_765 : i32
        %parallel_loop3A_767 = arith.constant 16 : i32
        %parallel_loop3A_768 = arith.muli %parallel_loop3A_766, %parallel_loop3A_767 : i32
        %parallel_loop3A_769 = arith.index_cast %parallel_loop3A_768 : i32 to index
        %parallel_loop3A_770 = tpu.vector_load %arg11[%parallel_loop3A_769] {strides = array<i32>} : memref<8192xf32, #tpu.memory_space<vmem>>, vector<16xf32>,
        %parallel_loop3A_771 = vector.shape_cast %parallel_loop3A_770 : vector<16xf32> to vector<16xf32>
        %parallel_loop3A_772 = vector.shape_cast %parallel_loop3A_762 : vector<16xf32> to vector<16xf32>
        tpu.vector_store %arg11[%parallel_loop3A_769], %parallel_loop3A_772 {strides = array<i32>} : memref<8192xf32, #tpu.memory_space<vmem>>, vector<16xf32>,
        %parallel_loop3A_773 = vector.shape_cast %parallel_loop3A_230 : vector<16xi32> to vector<16x1xi32>
        %parallel_loop3A_774 = vector.shape_cast %parallel_loop3A_773 : vector<16x1xi32> to vector<16xi32>
        %parallel_loop3A_775 = tpu.dynamic_gather %parallel_loop3A_681[%parallel_loop3A_774] in [0] : vector<16xf32>, vector<16xi32> -> vector<16xf32>
        %parallel_loop3A_776 = arith.constant 8 : i32
        %parallel_loop3A_777 = arith.muli %parallel_loop3A_158, %parallel_loop3A_776 : i32
        %parallel_loop3A_778 = arith.constant 7 : i32
        %parallel_loop3A_779 = arith.addi %parallel_loop3A_777, %parallel_loop3A_778 : i32
        %parallel_loop3A_780 = arith.constant 16 : i32
        %parallel_loop3A_781 = arith.muli %parallel_loop3A_779, %parallel_loop3A_780 : i32
        %parallel_loop3A_782 = arith.index_cast %parallel_loop3A_781 : i32 to index
        %parallel_loop3A_783 = tpu.vector_load %arg11[%parallel_loop3A_782] {strides = array<i32>} : memref<8192xf32, #tpu.memory_space<vmem>>, vector<16xf32>,
        %parallel_loop3A_784 = vector.shape_cast %parallel_loop3A_783 : vector<16xf32> to vector<16xf32>
        %parallel_loop3A_785 = vector.shape_cast %parallel_loop3A_775 : vector<16xf32> to vector<16xf32>
        tpu.vector_store %arg11[%parallel_loop3A_782], %parallel_loop3A_785 {strides = array<i32>} : memref<8192xf32, #tpu.memory_space<vmem>>, vector<16xf32>,
        %parallel_loop3A_786 = arith.constant 5 : i32
        %parallel_loop3A_787 = arith.addi %add3A_74, %parallel_loop3A_786 : i32
        %parallel_loop3A_788 = arith.constant 10 : i32
        %parallel_loop3A_789 = arith.muli %parallel_loop3A_787, %parallel_loop3A_788 : i32
        %parallel_loop3A_790 = arith.index_cast %parallel_loop3A_789 : i32 to index
        %parallel_loop3A_791 = tpu.vector_load %arg5[%parallel_loop3A_790] {strides = array<i32>} : memref<7856xf32, #tpu.memory_space<vmem>>, vector<16xf32>,
        %parallel_loop3A_792 = vector.shape_cast %parallel_loop3A_791 : vector<16xf32> to vector<16xf32>
        %parallel_loop3A_793 = vector.shape_cast %parallel_loop3A_167 : vector<16xi32> to vector<16x1xi32>
        %parallel_loop3A_794 = vector.shape_cast %parallel_loop3A_793 : vector<16x1xi32> to vector<16xi32>
        %parallel_loop3A_795 = tpu.dynamic_gather %parallel_loop3A_792[%parallel_loop3A_794] in [0] : vector<16xf32>, vector<16xi32> -> vector<16xf32>
        %parallel_loop3A_796 = arith.constant 8 : i32
        %parallel_loop3A_797 = arith.muli %parallel_loop3A_158, %parallel_loop3A_796 : i32
        %parallel_loop3A_798 = arith.constant 0 : i32
        %parallel_loop3A_799 = arith.addi %parallel_loop3A_797, %parallel_loop3A_798 : i32
        %parallel_loop3A_800 = arith.constant 16 : i32
        %parallel_loop3A_801 = arith.muli %parallel_loop3A_799, %parallel_loop3A_800 : i32
        %parallel_loop3A_802 = arith.index_cast %parallel_loop3A_801 : i32 to index
        %parallel_loop3A_803 = tpu.vector_load %arg12[%parallel_loop3A_802] {strides = array<i32>} : memref<8192xf32, #tpu.memory_space<vmem>>, vector<16xf32>,
        %parallel_loop3A_804 = vector.shape_cast %parallel_loop3A_803 : vector<16xf32> to vector<16xf32>
        %parallel_loop3A_805 = vector.shape_cast %parallel_loop3A_795 : vector<16xf32> to vector<16xf32>
        tpu.vector_store %arg12[%parallel_loop3A_802], %parallel_loop3A_805 {strides = array<i32>} : memref<8192xf32, #tpu.memory_space<vmem>>, vector<16xf32>,
        %parallel_loop3A_806 = vector.shape_cast %parallel_loop3A_176 : vector<16xi32> to vector<16x1xi32>
        %parallel_loop3A_807 = vector.shape_cast %parallel_loop3A_806 : vector<16x1xi32> to vector<16xi32>
        %parallel_loop3A_808 = tpu.dynamic_gather %parallel_loop3A_792[%parallel_loop3A_807] in [0] : vector<16xf32>, vector<16xi32> -> vector<16xf32>
        %parallel_loop3A_809 = arith.constant 8 : i32
        %parallel_loop3A_810 = arith.muli %parallel_loop3A_158, %parallel_loop3A_809 : i32
        %parallel_loop3A_811 = arith.constant 1 : i32
        %parallel_loop3A_812 = arith.addi %parallel_loop3A_810, %parallel_loop3A_811 : i32
        %parallel_loop3A_813 = arith.constant 16 : i32
        %parallel_loop3A_814 = arith.muli %parallel_loop3A_812, %parallel_loop3A_813 : i32
        %parallel_loop3A_815 = arith.index_cast %parallel_loop3A_814 : i32 to index
        %parallel_loop3A_816 = tpu.vector_load %arg12[%parallel_loop3A_815] {strides = array<i32>} : memref<8192xf32, #tpu.memory_space<vmem>>, vector<16xf32>,
        %parallel_loop3A_817 = vector.shape_cast %parallel_loop3A_816 : vector<16xf32> to vector<16xf32>
        %parallel_loop3A_818 = vector.shape_cast %parallel_loop3A_808 : vector<16xf32> to vector<16xf32>
        tpu.vector_store %arg12[%parallel_loop3A_815], %parallel_loop3A_818 {strides = array<i32>} : memref<8192xf32, #tpu.memory_space<vmem>>, vector<16xf32>,
        %parallel_loop3A_819 = vector.shape_cast %parallel_loop3A_185 : vector<16xi32> to vector<16x1xi32>
        %parallel_loop3A_820 = vector.shape_cast %parallel_loop3A_819 : vector<16x1xi32> to vector<16xi32>
        %parallel_loop3A_821 = tpu.dynamic_gather %parallel_loop3A_792[%parallel_loop3A_820] in [0] : vector<16xf32>, vector<16xi32> -> vector<16xf32>
        %parallel_loop3A_822 = arith.constant 8 : i32
        %parallel_loop3A_823 = arith.muli %parallel_loop3A_158, %parallel_loop3A_822 : i32
        %parallel_loop3A_824 = arith.constant 2 : i32
        %parallel_loop3A_825 = arith.addi %parallel_loop3A_823, %parallel_loop3A_824 : i32
        %parallel_loop3A_826 = arith.constant 16 : i32
        %parallel_loop3A_827 = arith.muli %parallel_loop3A_825, %parallel_loop3A_826 : i32
        %parallel_loop3A_828 = arith.index_cast %parallel_loop3A_827 : i32 to index
        %parallel_loop3A_829 = tpu.vector_load %arg12[%parallel_loop3A_828] {strides = array<i32>} : memref<8192xf32, #tpu.memory_space<vmem>>, vector<16xf32>,
        %parallel_loop3A_830 = vector.shape_cast %parallel_loop3A_829 : vector<16xf32> to vector<16xf32>
        %parallel_loop3A_831 = vector.shape_cast %parallel_loop3A_821 : vector<16xf32> to vector<16xf32>
        tpu.vector_store %arg12[%parallel_loop3A_828], %parallel_loop3A_831 {strides = array<i32>} : memref<8192xf32, #tpu.memory_space<vmem>>, vector<16xf32>,
        %parallel_loop3A_832 = vector.shape_cast %parallel_loop3A_194 : vector<16xi32> to vector<16x1xi32>
        %parallel_loop3A_833 = vector.shape_cast %parallel_loop3A_832 : vector<16x1xi32> to vector<16xi32>
        %parallel_loop3A_834 = tpu.dynamic_gather %parallel_loop3A_792[%parallel_loop3A_833] in [0] : vector<16xf32>, vector<16xi32> -> vector<16xf32>
        %parallel_loop3A_835 = arith.constant 8 : i32
        %parallel_loop3A_836 = arith.muli %parallel_loop3A_158, %parallel_loop3A_835 : i32
        %parallel_loop3A_837 = arith.constant 3 : i32
        %parallel_loop3A_838 = arith.addi %parallel_loop3A_836, %parallel_loop3A_837 : i32
        %parallel_loop3A_839 = arith.constant 16 : i32
        %parallel_loop3A_840 = arith.muli %parallel_loop3A_838, %parallel_loop3A_839 : i32
        %parallel_loop3A_841 = arith.index_cast %parallel_loop3A_840 : i32 to index
        %parallel_loop3A_842 = tpu.vector_load %arg12[%parallel_loop3A_841] {strides = array<i32>} : memref<8192xf32, #tpu.memory_space<vmem>>, vector<16xf32>,
        %parallel_loop3A_843 = vector.shape_cast %parallel_loop3A_842 : vector<16xf32> to vector<16xf32>
        %parallel_loop3A_844 = vector.shape_cast %parallel_loop3A_834 : vector<16xf32> to vector<16xf32>
        tpu.vector_store %arg12[%parallel_loop3A_841], %parallel_loop3A_844 {strides = array<i32>} : memref<8192xf32, #tpu.memory_space<vmem>>, vector<16xf32>,
        %parallel_loop3A_845 = vector.shape_cast %parallel_loop3A_203 : vector<16xi32> to vector<16x1xi32>
        %parallel_loop3A_846 = vector.shape_cast %parallel_loop3A_845 : vector<16x1xi32> to vector<16xi32>
        %parallel_loop3A_847 = tpu.dynamic_gather %parallel_loop3A_792[%parallel_loop3A_846] in [0] : vector<16xf32>, vector<16xi32> -> vector<16xf32>
        %parallel_loop3A_848 = arith.constant 8 : i32
        %parallel_loop3A_849 = arith.muli %parallel_loop3A_158, %parallel_loop3A_848 : i32
        %parallel_loop3A_850 = arith.constant 4 : i32
        %parallel_loop3A_851 = arith.addi %parallel_loop3A_849, %parallel_loop3A_850 : i32
        %parallel_loop3A_852 = arith.constant 16 : i32
        %parallel_loop3A_853 = arith.muli %parallel_loop3A_851, %parallel_loop3A_852 : i32
        %parallel_loop3A_854 = arith.index_cast %parallel_loop3A_853 : i32 to index
        %parallel_loop3A_855 = tpu.vector_load %arg12[%parallel_loop3A_854] {strides = array<i32>} : memref<8192xf32, #tpu.memory_space<vmem>>, vector<16xf32>,
        %parallel_loop3A_856 = vector.shape_cast %parallel_loop3A_855 : vector<16xf32> to vector<16xf32>
        %parallel_loop3A_857 = vector.shape_cast %parallel_loop3A_847 : vector<16xf32> to vector<16xf32>
        tpu.vector_store %arg12[%parallel_loop3A_854], %parallel_loop3A_857 {strides = array<i32>} : memref<8192xf32, #tpu.memory_space<vmem>>, vector<16xf32>,
        %parallel_loop3A_858 = vector.shape_cast %parallel_loop3A_212 : vector<16xi32> to vector<16x1xi32>
        %parallel_loop3A_859 = vector.shape_cast %parallel_loop3A_858 : vector<16x1xi32> to vector<16xi32>
        %parallel_loop3A_860 = tpu.dynamic_gather %parallel_loop3A_792[%parallel_loop3A_859] in [0] : vector<16xf32>, vector<16xi32> -> vector<16xf32>
        %parallel_loop3A_861 = arith.constant 8 : i32
        %parallel_loop3A_862 = arith.muli %parallel_loop3A_158, %parallel_loop3A_861 : i32
        %parallel_loop3A_863 = arith.constant 5 : i32
        %parallel_loop3A_864 = arith.addi %parallel_loop3A_862, %parallel_loop3A_863 : i32
        %parallel_loop3A_865 = arith.constant 16 : i32
        %parallel_loop3A_866 = arith.muli %parallel_loop3A_864, %parallel_loop3A_865 : i32
        %parallel_loop3A_867 = arith.index_cast %parallel_loop3A_866 : i32 to index
        %parallel_loop3A_868 = tpu.vector_load %arg12[%parallel_loop3A_867] {strides = array<i32>} : memref<8192xf32, #tpu.memory_space<vmem>>, vector<16xf32>,
        %parallel_loop3A_869 = vector.shape_cast %parallel_loop3A_868 : vector<16xf32> to vector<16xf32>
        %parallel_loop3A_870 = vector.shape_cast %parallel_loop3A_860 : vector<16xf32> to vector<16xf32>
        tpu.vector_store %arg12[%parallel_loop3A_867], %parallel_loop3A_870 {strides = array<i32>} : memref<8192xf32, #tpu.memory_space<vmem>>, vector<16xf32>,
        %parallel_loop3A_871 = vector.shape_cast %parallel_loop3A_221 : vector<16xi32> to vector<16x1xi32>
        %parallel_loop3A_872 = vector.shape_cast %parallel_loop3A_871 : vector<16x1xi32> to vector<16xi32>
        %parallel_loop3A_873 = tpu.dynamic_gather %parallel_loop3A_792[%parallel_loop3A_872] in [0] : vector<16xf32>, vector<16xi32> -> vector<16xf32>
        %parallel_loop3A_874 = arith.constant 8 : i32
        %parallel_loop3A_875 = arith.muli %parallel_loop3A_158, %parallel_loop3A_874 : i32
        %parallel_loop3A_876 = arith.constant 6 : i32
        %parallel_loop3A_877 = arith.addi %parallel_loop3A_875, %parallel_loop3A_876 : i32
        %parallel_loop3A_878 = arith.constant 16 : i32
        %parallel_loop3A_879 = arith.muli %parallel_loop3A_877, %parallel_loop3A_878 : i32
        %parallel_loop3A_880 = arith.index_cast %parallel_loop3A_879 : i32 to index
        %parallel_loop3A_881 = tpu.vector_load %arg12[%parallel_loop3A_880] {strides = array<i32>} : memref<8192xf32, #tpu.memory_space<vmem>>, vector<16xf32>,
        %parallel_loop3A_882 = vector.shape_cast %parallel_loop3A_881 : vector<16xf32> to vector<16xf32>
        %parallel_loop3A_883 = vector.shape_cast %parallel_loop3A_873 : vector<16xf32> to vector<16xf32>
        tpu.vector_store %arg12[%parallel_loop3A_880], %parallel_loop3A_883 {strides = array<i32>} : memref<8192xf32, #tpu.memory_space<vmem>>, vector<16xf32>,
        %parallel_loop3A_884 = vector.shape_cast %parallel_loop3A_230 : vector<16xi32> to vector<16x1xi32>
        %parallel_loop3A_885 = vector.shape_cast %parallel_loop3A_884 : vector<16x1xi32> to vector<16xi32>
        %parallel_loop3A_886 = tpu.dynamic_gather %parallel_loop3A_792[%parallel_loop3A_885] in [0] : vector<16xf32>, vector<16xi32> -> vector<16xf32>
        %parallel_loop3A_887 = arith.constant 8 : i32
        %parallel_loop3A_888 = arith.muli %parallel_loop3A_158, %parallel_loop3A_887 : i32
        %parallel_loop3A_889 = arith.constant 7 : i32
        %parallel_loop3A_890 = arith.addi %parallel_loop3A_888, %parallel_loop3A_889 : i32
        %parallel_loop3A_891 = arith.constant 16 : i32
        %parallel_loop3A_892 = arith.muli %parallel_loop3A_890, %parallel_loop3A_891 : i32
        %parallel_loop3A_893 = arith.index_cast %parallel_loop3A_892 : i32 to index
        %parallel_loop3A_894 = tpu.vector_load %arg12[%parallel_loop3A_893] {strides = array<i32>} : memref<8192xf32, #tpu.memory_space<vmem>>, vector<16xf32>,
        %parallel_loop3A_895 = vector.shape_cast %parallel_loop3A_894 : vector<16xf32> to vector<16xf32>
        %parallel_loop3A_896 = vector.shape_cast %parallel_loop3A_886 : vector<16xf32> to vector<16xf32>
        tpu.vector_store %arg12[%parallel_loop3A_893], %parallel_loop3A_896 {strides = array<i32>} : memref<8192xf32, #tpu.memory_space<vmem>>, vector<16xf32>,
        %parallel_loop3A_897 = arith.constant 6 : i32
        %parallel_loop3A_898 = arith.addi %add3A_74, %parallel_loop3A_897 : i32
        %parallel_loop3A_899 = arith.constant 10 : i32
        %parallel_loop3A_900 = arith.muli %parallel_loop3A_898, %parallel_loop3A_899 : i32
        %parallel_loop3A_901 = arith.index_cast %parallel_loop3A_900 : i32 to index
        %parallel_loop3A_902 = tpu.vector_load %arg5[%parallel_loop3A_901] {strides = array<i32>} : memref<7856xf32, #tpu.memory_space<vmem>>, vector<16xf32>,
        %parallel_loop3A_903 = vector.shape_cast %parallel_loop3A_902 : vector<16xf32> to vector<16xf32>
        %parallel_loop3A_904 = vector.shape_cast %parallel_loop3A_167 : vector<16xi32> to vector<16x1xi32>
        %parallel_loop3A_905 = vector.shape_cast %parallel_loop3A_904 : vector<16x1xi32> to vector<16xi32>
        %parallel_loop3A_906 = tpu.dynamic_gather %parallel_loop3A_903[%parallel_loop3A_905] in [0] : vector<16xf32>, vector<16xi32> -> vector<16xf32>
        %parallel_loop3A_907 = arith.constant 8 : i32
        %parallel_loop3A_908 = arith.muli %parallel_loop3A_158, %parallel_loop3A_907 : i32
        %parallel_loop3A_909 = arith.constant 0 : i32
        %parallel_loop3A_910 = arith.addi %parallel_loop3A_908, %parallel_loop3A_909 : i32
        %parallel_loop3A_911 = arith.constant 16 : i32
        %parallel_loop3A_912 = arith.muli %parallel_loop3A_910, %parallel_loop3A_911 : i32
        %parallel_loop3A_913 = arith.index_cast %parallel_loop3A_912 : i32 to index
        %parallel_loop3A_914 = tpu.vector_load %arg13[%parallel_loop3A_913] {strides = array<i32>} : memref<8192xf32, #tpu.memory_space<vmem>>, vector<16xf32>,
        %parallel_loop3A_915 = vector.shape_cast %parallel_loop3A_914 : vector<16xf32> to vector<16xf32>
        %parallel_loop3A_916 = vector.shape_cast %parallel_loop3A_906 : vector<16xf32> to vector<16xf32>
        tpu.vector_store %arg13[%parallel_loop3A_913], %parallel_loop3A_916 {strides = array<i32>} : memref<8192xf32, #tpu.memory_space<vmem>>, vector<16xf32>,
        %parallel_loop3A_917 = vector.shape_cast %parallel_loop3A_176 : vector<16xi32> to vector<16x1xi32>
        %parallel_loop3A_918 = vector.shape_cast %parallel_loop3A_917 : vector<16x1xi32> to vector<16xi32>
        %parallel_loop3A_919 = tpu.dynamic_gather %parallel_loop3A_903[%parallel_loop3A_918] in [0] : vector<16xf32>, vector<16xi32> -> vector<16xf32>
        %parallel_loop3A_920 = arith.constant 8 : i32
        %parallel_loop3A_921 = arith.muli %parallel_loop3A_158, %parallel_loop3A_920 : i32
        %parallel_loop3A_922 = arith.constant 1 : i32
        %parallel_loop3A_923 = arith.addi %parallel_loop3A_921, %parallel_loop3A_922 : i32
        %parallel_loop3A_924 = arith.constant 16 : i32
        %parallel_loop3A_925 = arith.muli %parallel_loop3A_923, %parallel_loop3A_924 : i32
        %parallel_loop3A_926 = arith.index_cast %parallel_loop3A_925 : i32 to index
        %parallel_loop3A_927 = tpu.vector_load %arg13[%parallel_loop3A_926] {strides = array<i32>} : memref<8192xf32, #tpu.memory_space<vmem>>, vector<16xf32>,
        %parallel_loop3A_928 = vector.shape_cast %parallel_loop3A_927 : vector<16xf32> to vector<16xf32>
        %parallel_loop3A_929 = vector.shape_cast %parallel_loop3A_919 : vector<16xf32> to vector<16xf32>
        tpu.vector_store %arg13[%parallel_loop3A_926], %parallel_loop3A_929 {strides = array<i32>} : memref<8192xf32, #tpu.memory_space<vmem>>, vector<16xf32>,
        %parallel_loop3A_930 = vector.shape_cast %parallel_loop3A_185 : vector<16xi32> to vector<16x1xi32>
        %parallel_loop3A_931 = vector.shape_cast %parallel_loop3A_930 : vector<16x1xi32> to vector<16xi32>
        %parallel_loop3A_932 = tpu.dynamic_gather %parallel_loop3A_903[%parallel_loop3A_931] in [0] : vector<16xf32>, vector<16xi32> -> vector<16xf32>
        %parallel_loop3A_933 = arith.constant 8 : i32
        %parallel_loop3A_934 = arith.muli %parallel_loop3A_158, %parallel_loop3A_933 : i32
        %parallel_loop3A_935 = arith.constant 2 : i32
        %parallel_loop3A_936 = arith.addi %parallel_loop3A_934, %parallel_loop3A_935 : i32
        %parallel_loop3A_937 = arith.constant 16 : i32
        %parallel_loop3A_938 = arith.muli %parallel_loop3A_936, %parallel_loop3A_937 : i32
        %parallel_loop3A_939 = arith.index_cast %parallel_loop3A_938 : i32 to index
        %parallel_loop3A_940 = tpu.vector_load %arg13[%parallel_loop3A_939] {strides = array<i32>} : memref<8192xf32, #tpu.memory_space<vmem>>, vector<16xf32>,
        %parallel_loop3A_941 = vector.shape_cast %parallel_loop3A_940 : vector<16xf32> to vector<16xf32>
        %parallel_loop3A_942 = vector.shape_cast %parallel_loop3A_932 : vector<16xf32> to vector<16xf32>
        tpu.vector_store %arg13[%parallel_loop3A_939], %parallel_loop3A_942 {strides = array<i32>} : memref<8192xf32, #tpu.memory_space<vmem>>, vector<16xf32>,
        %parallel_loop3A_943 = vector.shape_cast %parallel_loop3A_194 : vector<16xi32> to vector<16x1xi32>
        %parallel_loop3A_944 = vector.shape_cast %parallel_loop3A_943 : vector<16x1xi32> to vector<16xi32>
        %parallel_loop3A_945 = tpu.dynamic_gather %parallel_loop3A_903[%parallel_loop3A_944] in [0] : vector<16xf32>, vector<16xi32> -> vector<16xf32>
        %parallel_loop3A_946 = arith.constant 8 : i32
        %parallel_loop3A_947 = arith.muli %parallel_loop3A_158, %parallel_loop3A_946 : i32
        %parallel_loop3A_948 = arith.constant 3 : i32
        %parallel_loop3A_949 = arith.addi %parallel_loop3A_947, %parallel_loop3A_948 : i32
        %parallel_loop3A_950 = arith.constant 16 : i32
        %parallel_loop3A_951 = arith.muli %parallel_loop3A_949, %parallel_loop3A_950 : i32
        %parallel_loop3A_952 = arith.index_cast %parallel_loop3A_951 : i32 to index
        %parallel_loop3A_953 = tpu.vector_load %arg13[%parallel_loop3A_952] {strides = array<i32>} : memref<8192xf32, #tpu.memory_space<vmem>>, vector<16xf32>,
        %parallel_loop3A_954 = vector.shape_cast %parallel_loop3A_953 : vector<16xf32> to vector<16xf32>
        %parallel_loop3A_955 = vector.shape_cast %parallel_loop3A_945 : vector<16xf32> to vector<16xf32>
        tpu.vector_store %arg13[%parallel_loop3A_952], %parallel_loop3A_955 {strides = array<i32>} : memref<8192xf32, #tpu.memory_space<vmem>>, vector<16xf32>,
        %parallel_loop3A_956 = vector.shape_cast %parallel_loop3A_203 : vector<16xi32> to vector<16x1xi32>
        %parallel_loop3A_957 = vector.shape_cast %parallel_loop3A_956 : vector<16x1xi32> to vector<16xi32>
        %parallel_loop3A_958 = tpu.dynamic_gather %parallel_loop3A_903[%parallel_loop3A_957] in [0] : vector<16xf32>, vector<16xi32> -> vector<16xf32>
        %parallel_loop3A_959 = arith.constant 8 : i32
        %parallel_loop3A_960 = arith.muli %parallel_loop3A_158, %parallel_loop3A_959 : i32
        %parallel_loop3A_961 = arith.constant 4 : i32
        %parallel_loop3A_962 = arith.addi %parallel_loop3A_960, %parallel_loop3A_961 : i32
        %parallel_loop3A_963 = arith.constant 16 : i32
        %parallel_loop3A_964 = arith.muli %parallel_loop3A_962, %parallel_loop3A_963 : i32
        %parallel_loop3A_965 = arith.index_cast %parallel_loop3A_964 : i32 to index
        %parallel_loop3A_966 = tpu.vector_load %arg13[%parallel_loop3A_965] {strides = array<i32>} : memref<8192xf32, #tpu.memory_space<vmem>>, vector<16xf32>,
        %parallel_loop3A_967 = vector.shape_cast %parallel_loop3A_966 : vector<16xf32> to vector<16xf32>
        %parallel_loop3A_968 = vector.shape_cast %parallel_loop3A_958 : vector<16xf32> to vector<16xf32>
        tpu.vector_store %arg13[%parallel_loop3A_965], %parallel_loop3A_968 {strides = array<i32>} : memref<8192xf32, #tpu.memory_space<vmem>>, vector<16xf32>,
        %parallel_loop3A_969 = vector.shape_cast %parallel_loop3A_212 : vector<16xi32> to vector<16x1xi32>
        %parallel_loop3A_970 = vector.shape_cast %parallel_loop3A_969 : vector<16x1xi32> to vector<16xi32>
        %parallel_loop3A_971 = tpu.dynamic_gather %parallel_loop3A_903[%parallel_loop3A_970] in [0] : vector<16xf32>, vector<16xi32> -> vector<16xf32>
        %parallel_loop3A_972 = arith.constant 8 : i32
        %parallel_loop3A_973 = arith.muli %parallel_loop3A_158, %parallel_loop3A_972 : i32
        %parallel_loop3A_974 = arith.constant 5 : i32
        %parallel_loop3A_975 = arith.addi %parallel_loop3A_973, %parallel_loop3A_974 : i32
        %parallel_loop3A_976 = arith.constant 16 : i32
        %parallel_loop3A_977 = arith.muli %parallel_loop3A_975, %parallel_loop3A_976 : i32
        %parallel_loop3A_978 = arith.index_cast %parallel_loop3A_977 : i32 to index
        %parallel_loop3A_979 = tpu.vector_load %arg13[%parallel_loop3A_978] {strides = array<i32>} : memref<8192xf32, #tpu.memory_space<vmem>>, vector<16xf32>,
        %parallel_loop3A_980 = vector.shape_cast %parallel_loop3A_979 : vector<16xf32> to vector<16xf32>
        %parallel_loop3A_981 = vector.shape_cast %parallel_loop3A_971 : vector<16xf32> to vector<16xf32>
        tpu.vector_store %arg13[%parallel_loop3A_978], %parallel_loop3A_981 {strides = array<i32>} : memref<8192xf32, #tpu.memory_space<vmem>>, vector<16xf32>,
        %parallel_loop3A_982 = vector.shape_cast %parallel_loop3A_221 : vector<16xi32> to vector<16x1xi32>
        %parallel_loop3A_983 = vector.shape_cast %parallel_loop3A_982 : vector<16x1xi32> to vector<16xi32>
        %parallel_loop3A_984 = tpu.dynamic_gather %parallel_loop3A_903[%parallel_loop3A_983] in [0] : vector<16xf32>, vector<16xi32> -> vector<16xf32>
        %parallel_loop3A_985 = arith.constant 8 : i32
        %parallel_loop3A_986 = arith.muli %parallel_loop3A_158, %parallel_loop3A_985 : i32
        %parallel_loop3A_987 = arith.constant 6 : i32
        %parallel_loop3A_988 = arith.addi %parallel_loop3A_986, %parallel_loop3A_987 : i32
        %parallel_loop3A_989 = arith.constant 16 : i32
        %parallel_loop3A_990 = arith.muli %parallel_loop3A_988, %parallel_loop3A_989 : i32
        %parallel_loop3A_991 = arith.index_cast %parallel_loop3A_990 : i32 to index
        %parallel_loop3A_992 = tpu.vector_load %arg13[%parallel_loop3A_991] {strides = array<i32>} : memref<8192xf32, #tpu.memory_space<vmem>>, vector<16xf32>,
        %parallel_loop3A_993 = vector.shape_cast %parallel_loop3A_992 : vector<16xf32> to vector<16xf32>
        %parallel_loop3A_994 = vector.shape_cast %parallel_loop3A_984 : vector<16xf32> to vector<16xf32>
        tpu.vector_store %arg13[%parallel_loop3A_991], %parallel_loop3A_994 {strides = array<i32>} : memref<8192xf32, #tpu.memory_space<vmem>>, vector<16xf32>,
        %parallel_loop3A_995 = vector.shape_cast %parallel_loop3A_230 : vector<16xi32> to vector<16x1xi32>
        %parallel_loop3A_996 = vector.shape_cast %parallel_loop3A_995 : vector<16x1xi32> to vector<16xi32>
        %parallel_loop3A_997 = tpu.dynamic_gather %parallel_loop3A_903[%parallel_loop3A_996] in [0] : vector<16xf32>, vector<16xi32> -> vector<16xf32>
        %parallel_loop3A_998 = arith.constant 8 : i32
        %parallel_loop3A_999 = arith.muli %parallel_loop3A_158, %parallel_loop3A_998 : i32
        %parallel_loop3A_1000 = arith.constant 7 : i32
        %parallel_loop3A_1001 = arith.addi %parallel_loop3A_999, %parallel_loop3A_1000 : i32
        %parallel_loop3A_1002 = arith.constant 16 : i32
        %parallel_loop3A_1003 = arith.muli %parallel_loop3A_1001, %parallel_loop3A_1002 : i32
        %parallel_loop3A_1004 = arith.index_cast %parallel_loop3A_1003 : i32 to index
        %parallel_loop3A_1005 = tpu.vector_load %arg13[%parallel_loop3A_1004] {strides = array<i32>} : memref<8192xf32, #tpu.memory_space<vmem>>, vector<16xf32>,
        %parallel_loop3A_1006 = vector.shape_cast %parallel_loop3A_1005 : vector<16xf32> to vector<16xf32>
        %parallel_loop3A_1007 = vector.shape_cast %parallel_loop3A_997 : vector<16xf32> to vector<16xf32>
        tpu.vector_store %arg13[%parallel_loop3A_1004], %parallel_loop3A_1007 {strides = array<i32>} : memref<8192xf32, #tpu.memory_space<vmem>>, vector<16xf32>,
      } {sc.loop_unroll_factor = 2 : i64, sc.parallel_access}
      %add3A_109 = arith.constant 0 : i32
      %add3A_110 = arith.addi %add3A_74, %add3A_109 : i32
      %mul3A_111 = arith.constant 16384 : i32
      %mul3A_112 = arith.muli %add3A_110, %mul3A_111 : i32
      %add3A_113 = arith.addi %mul3A_112, %mul3A_2 : i32
      %dma_start3A = tpu.memref_slice %arg4[%add3A_113] : memref<12845056xf32, #tpu.memory_space<hbm>> -> memref<8192xf32, #tpu.memory_space<hbm>>
      %dma_start3A_114 = tpu.memref_slice %arg4[%add3A_113] : memref<12845056xf32, #tpu.memory_space<hbm>> -> memref<8192xf32, #tpu.memory_space<hbm>>
      tpu.enqueue_dma source(%arg7 : memref<8192xf32, #tpu.memory_space<vmem>>) target(%dma_start3A_114 : memref<8192xf32, #tpu.memory_space<hbm>>) target_semaphore(%arg14 : memref<!tpu.dma_semaphore, #tpu.memory_space<semaphore_mem>>)
      %add3A_115 = arith.constant 1 : i32
      %add3A_116 = arith.addi %add3A_74, %add3A_115 : i32
      %mul3A_117 = arith.constant 16384 : i32
      %mul3A_118 = arith.muli %add3A_116, %mul3A_117 : i32
      %add3A_119 = arith.addi %mul3A_118, %mul3A_2 : i32
      %dma_start3A_120 = tpu.memref_slice %arg4[%add3A_119] : memref<12845056xf32, #tpu.memory_space<hbm>> -> memref<8192xf32, #tpu.memory_space<hbm>>
      %dma_start3A_121 = tpu.memref_slice %arg4[%add3A_119] : memref<12845056xf32, #tpu.memory_space<hbm>> -> memref<8192xf32, #tpu.memory_space<hbm>>
      tpu.enqueue_dma source(%arg8 : memref<8192xf32, #tpu.memory_space<vmem>>) target(%dma_start3A_121 : memref<8192xf32, #tpu.memory_space<hbm>>) target_semaphore(%arg15 : memref<!tpu.dma_semaphore, #tpu.memory_space<semaphore_mem>>)
      %add3A_122 = arith.constant 2 : i32
      %add3A_123 = arith.addi %add3A_74, %add3A_122 : i32
      %mul3A_124 = arith.constant 16384 : i32
      %mul3A_125 = arith.muli %add3A_123, %mul3A_124 : i32
      %add3A_126 = arith.addi %mul3A_125, %mul3A_2 : i32
      %dma_start3A_127 = tpu.memref_slice %arg4[%add3A_126] : memref<12845056xf32, #tpu.memory_space<hbm>> -> memref<8192xf32, #tpu.memory_space<hbm>>
      %dma_start3A_128 = tpu.memref_slice %arg4[%add3A_126] : memref<12845056xf32, #tpu.memory_space<hbm>> -> memref<8192xf32, #tpu.memory_space<hbm>>
      tpu.enqueue_dma source(%arg9 : memref<8192xf32, #tpu.memory_space<vmem>>) target(%dma_start3A_128 : memref<8192xf32, #tpu.memory_space<hbm>>) target_semaphore(%arg16 : memref<!tpu.dma_semaphore, #tpu.memory_space<semaphore_mem>>)
      %add3A_129 = arith.constant 3 : i32
      %add3A_130 = arith.addi %add3A_74, %add3A_129 : i32
      %mul3A_131 = arith.constant 16384 : i32
      %mul3A_132 = arith.muli %add3A_130, %mul3A_131 : i32
      %add3A_133 = arith.addi %mul3A_132, %mul3A_2 : i32
      %dma_start3A_134 = tpu.memref_slice %arg4[%add3A_133] : memref<12845056xf32, #tpu.memory_space<hbm>> -> memref<8192xf32, #tpu.memory_space<hbm>>
      %dma_start3A_135 = tpu.memref_slice %arg4[%add3A_133] : memref<12845056xf32, #tpu.memory_space<hbm>> -> memref<8192xf32, #tpu.memory_space<hbm>>
      tpu.enqueue_dma source(%arg10 : memref<8192xf32, #tpu.memory_space<vmem>>) target(%dma_start3A_135 : memref<8192xf32, #tpu.memory_space<hbm>>) target_semaphore(%arg17 : memref<!tpu.dma_semaphore, #tpu.memory_space<semaphore_mem>>)
      %add3A_136 = arith.constant 4 : i32
      %add3A_137 = arith.addi %add3A_74, %add3A_136 : i32
      %mul3A_138 = arith.constant 16384 : i32
      %mul3A_139 = arith.muli %add3A_137, %mul3A_138 : i32
      %add3A_140 = arith.addi %mul3A_139, %mul3A_2 : i32
      %dma_start3A_141 = tpu.memref_slice %arg4[%add3A_140] : memref<12845056xf32, #tpu.memory_space<hbm>> -> memref<8192xf32, #tpu.memory_space<hbm>>
      %dma_start3A_142 = tpu.memref_slice %arg4[%add3A_140] : memref<12845056xf32, #tpu.memory_space<hbm>> -> memref<8192xf32, #tpu.memory_space<hbm>>
      tpu.enqueue_dma source(%arg11 : memref<8192xf32, #tpu.memory_space<vmem>>) target(%dma_start3A_142 : memref<8192xf32, #tpu.memory_space<hbm>>) target_semaphore(%arg18 : memref<!tpu.dma_semaphore, #tpu.memory_space<semaphore_mem>>)
      %add3A_143 = arith.constant 5 : i32
      %add3A_144 = arith.addi %add3A_74, %add3A_143 : i32
      %mul3A_145 = arith.constant 16384 : i32
      %mul3A_146 = arith.muli %add3A_144, %mul3A_145 : i32
      %add3A_147 = arith.addi %mul3A_146, %mul3A_2 : i32
      %dma_start3A_148 = tpu.memref_slice %arg4[%add3A_147] : memref<12845056xf32, #tpu.memory_space<hbm>> -> memref<8192xf32, #tpu.memory_space<hbm>>
      %dma_start3A_149 = tpu.memref_slice %arg4[%add3A_147] : memref<12845056xf32, #tpu.memory_space<hbm>> -> memref<8192xf32, #tpu.memory_space<hbm>>
      tpu.enqueue_dma source(%arg12 : memref<8192xf32, #tpu.memory_space<vmem>>) target(%dma_start3A_149 : memref<8192xf32, #tpu.memory_space<hbm>>) target_semaphore(%arg19 : memref<!tpu.dma_semaphore, #tpu.memory_space<semaphore_mem>>)
      %add3A_150 = arith.constant 6 : i32
      %add3A_151 = arith.addi %add3A_74, %add3A_150 : i32
      %mul3A_152 = arith.constant 16384 : i32
      %mul3A_153 = arith.muli %add3A_151, %mul3A_152 : i32
      %add3A_154 = arith.addi %mul3A_153, %mul3A_2 : i32
      %dma_start3A_155 = tpu.memref_slice %arg4[%add3A_154] : memref<12845056xf32, #tpu.memory_space<hbm>> -> memref<8192xf32, #tpu.memory_space<hbm>>
      %dma_start3A_156 = tpu.memref_slice %arg4[%add3A_154] : memref<12845056xf32, #tpu.memory_space<hbm>> -> memref<8192xf32, #tpu.memory_space<hbm>>
      tpu.enqueue_dma source(%arg13 : memref<8192xf32, #tpu.memory_space<vmem>>) target(%dma_start3A_156 : memref<8192xf32, #tpu.memory_space<hbm>>) target_semaphore(%arg20 : memref<!tpu.dma_semaphore, #tpu.memory_space<semaphore_mem>>)
      %scan3A_157 = arith.constant 0 : i32
      scf.yield %scan3A_157 : i32
    }
    %scan3A_8 = arith.constant 7 : i32
    %add3A = arith.constant 42 : i32
    %add3A_9 = arith.addi %mul3A_0, %add3A : i32
    %add3A_10 = arith.constant 0 : i32
    %add3A_11 = arith.addi %add3A_9, %add3A_10 : i32
    %mul3A_12 = arith.constant 16384 : i32
    %mul3A_13 = arith.muli %add3A_11, %mul3A_12 : i32
    %add3A_14 = arith.addi %mul3A_13, %mul3A_2 : i32
    %dma_wait3A = tpu.memref_slice %arg4[%add3A_14] : memref<12845056xf32, #tpu.memory_space<hbm>> -> memref<8192xf32, #tpu.memory_space<hbm>>
    %dma_wait3A_15 = tpu.memref_slice %arg4[%add3A_14] : memref<12845056xf32, #tpu.memory_space<hbm>> -> memref<8192xf32, #tpu.memory_space<hbm>>
    tpu.wait_dma2 semaphore(%arg14 : memref<!tpu.dma_semaphore, #tpu.memory_space<semaphore_mem>>) src(%arg7 : memref<8192xf32, #tpu.memory_space<vmem>>) dst(%dma_wait3A_15 : memref<8192xf32, #tpu.memory_space<hbm>>)
    %add3A_16 = arith.constant 42 : i32
    %add3A_17 = arith.addi %mul3A_0, %add3A_16 : i32
    %add3A_18 = arith.constant 1 : i32
    %add3A_19 = arith.addi %add3A_17, %add3A_18 : i32
    %mul3A_20 = arith.constant 16384 : i32
    %mul3A_21 = arith.muli %add3A_19, %mul3A_20 : i32
    %add3A_22 = arith.addi %mul3A_21, %mul3A_2 : i32
    %dma_wait3A_23 = tpu.memref_slice %arg4[%add3A_22] : memref<12845056xf32, #tpu.memory_space<hbm>> -> memref<8192xf32, #tpu.memory_space<hbm>>
    %dma_wait3A_24 = tpu.memref_slice %arg4[%add3A_22] : memref<12845056xf32, #tpu.memory_space<hbm>> -> memref<8192xf32, #tpu.memory_space<hbm>>
    tpu.wait_dma2 semaphore(%arg15 : memref<!tpu.dma_semaphore, #tpu.memory_space<semaphore_mem>>) src(%arg8 : memref<8192xf32, #tpu.memory_space<vmem>>) dst(%dma_wait3A_24 : memref<8192xf32, #tpu.memory_space<hbm>>)
    %add3A_25 = arith.constant 42 : i32
    %add3A_26 = arith.addi %mul3A_0, %add3A_25 : i32
    %add3A_27 = arith.constant 2 : i32
    %add3A_28 = arith.addi %add3A_26, %add3A_27 : i32
    %mul3A_29 = arith.constant 16384 : i32
    %mul3A_30 = arith.muli %add3A_28, %mul3A_29 : i32
    %add3A_31 = arith.addi %mul3A_30, %mul3A_2 : i32
    %dma_wait3A_32 = tpu.memref_slice %arg4[%add3A_31] : memref<12845056xf32, #tpu.memory_space<hbm>> -> memref<8192xf32, #tpu.memory_space<hbm>>
    %dma_wait3A_33 = tpu.memref_slice %arg4[%add3A_31] : memref<12845056xf32, #tpu.memory_space<hbm>> -> memref<8192xf32, #tpu.memory_space<hbm>>
    tpu.wait_dma2 semaphore(%arg16 : memref<!tpu.dma_semaphore, #tpu.memory_space<semaphore_mem>>) src(%arg9 : memref<8192xf32, #tpu.memory_space<vmem>>) dst(%dma_wait3A_33 : memref<8192xf32, #tpu.memory_space<hbm>>)
    %add3A_34 = arith.constant 42 : i32
    %add3A_35 = arith.addi %mul3A_0, %add3A_34 : i32
    %add3A_36 = arith.constant 3 : i32
    %add3A_37 = arith.addi %add3A_35, %add3A_36 : i32
    %mul3A_38 = arith.constant 16384 : i32
    %mul3A_39 = arith.muli %add3A_37, %mul3A_38 : i32
    %add3A_40 = arith.addi %mul3A_39, %mul3A_2 : i32
    %dma_wait3A_41 = tpu.memref_slice %arg4[%add3A_40] : memref<12845056xf32, #tpu.memory_space<hbm>> -> memref<8192xf32, #tpu.memory_space<hbm>>
    %dma_wait3A_42 = tpu.memref_slice %arg4[%add3A_40] : memref<12845056xf32, #tpu.memory_space<hbm>> -> memref<8192xf32, #tpu.memory_space<hbm>>
    tpu.wait_dma2 semaphore(%arg17 : memref<!tpu.dma_semaphore, #tpu.memory_space<semaphore_mem>>) src(%arg10 : memref<8192xf32, #tpu.memory_space<vmem>>) dst(%dma_wait3A_42 : memref<8192xf32, #tpu.memory_space<hbm>>)
    %add3A_43 = arith.constant 42 : i32
    %add3A_44 = arith.addi %mul3A_0, %add3A_43 : i32
    %add3A_45 = arith.constant 4 : i32
    %add3A_46 = arith.addi %add3A_44, %add3A_45 : i32
    %mul3A_47 = arith.constant 16384 : i32
    %mul3A_48 = arith.muli %add3A_46, %mul3A_47 : i32
    %add3A_49 = arith.addi %mul3A_48, %mul3A_2 : i32
    %dma_wait3A_50 = tpu.memref_slice %arg4[%add3A_49] : memref<12845056xf32, #tpu.memory_space<hbm>> -> memref<8192xf32, #tpu.memory_space<hbm>>
    %dma_wait3A_51 = tpu.memref_slice %arg4[%add3A_49] : memref<12845056xf32, #tpu.memory_space<hbm>> -> memref<8192xf32, #tpu.memory_space<hbm>>
    tpu.wait_dma2 semaphore(%arg18 : memref<!tpu.dma_semaphore, #tpu.memory_space<semaphore_mem>>) src(%arg11 : memref<8192xf32, #tpu.memory_space<vmem>>) dst(%dma_wait3A_51 : memref<8192xf32, #tpu.memory_space<hbm>>)
    %add3A_52 = arith.constant 42 : i32
    %add3A_53 = arith.addi %mul3A_0, %add3A_52 : i32
    %add3A_54 = arith.constant 5 : i32
    %add3A_55 = arith.addi %add3A_53, %add3A_54 : i32
    %mul3A_56 = arith.constant 16384 : i32
    %mul3A_57 = arith.muli %add3A_55, %mul3A_56 : i32
    %add3A_58 = arith.addi %mul3A_57, %mul3A_2 : i32
    %dma_wait3A_59 = tpu.memref_slice %arg4[%add3A_58] : memref<12845056xf32, #tpu.memory_space<hbm>> -> memref<8192xf32, #tpu.memory_space<hbm>>
    %dma_wait3A_60 = tpu.memref_slice %arg4[%add3A_58] : memref<12845056xf32, #tpu.memory_space<hbm>> -> memref<8192xf32, #tpu.memory_space<hbm>>
    tpu.wait_dma2 semaphore(%arg19 : memref<!tpu.dma_semaphore, #tpu.memory_space<semaphore_mem>>) src(%arg12 : memref<8192xf32, #tpu.memory_space<vmem>>) dst(%dma_wait3A_60 : memref<8192xf32, #tpu.memory_space<hbm>>)
    %add3A_61 = arith.constant 42 : i32
    %add3A_62 = arith.addi %mul3A_0, %add3A_61 : i32
    %add3A_63 = arith.constant 6 : i32
    %add3A_64 = arith.addi %add3A_62, %add3A_63 : i32
    %mul3A_65 = arith.constant 16384 : i32
    %mul3A_66 = arith.muli %add3A_64, %mul3A_65 : i32
    %add3A_67 = arith.addi %mul3A_66, %mul3A_2 : i32
    %dma_wait3A_68 = tpu.memref_slice %arg4[%add3A_67] : memref<12845056xf32, #tpu.memory_space<hbm>> -> memref<8192xf32, #tpu.memory_space<hbm>>
    %dma_wait3A_69 = tpu.memref_slice %arg4[%add3A_67] : memref<12845056xf32, #tpu.memory_space<hbm>> -> memref<8192xf32, #tpu.memory_space<hbm>>
    tpu.wait_dma2 semaphore(%arg20 : memref<!tpu.dma_semaphore, #tpu.memory_space<semaphore_mem>>) src(%arg13 : memref<8192xf32, #tpu.memory_space<vmem>>) dst(%dma_wait3A_69 : memref<8192xf32, #tpu.memory_space<hbm>>)
    return
  }
}

</mosaic_0001>

<sc_bundles>
// kernel: _gather_t.3.cloned.1.call-start
scs
__scs_entry_jumppad:
0x0: {  	(pc) =	sbr.rel $0x88, $3  }
0x1: {  	(tag) =	ssettag $0x0;
	lr =	simm.s32 $0x1  }
0x2: {  	[smem:$0x3F9F] =	sst lr;
	_ =	strace $0xD0000000  }
0x3: {  	_ = 	snop  }
0x4: {  	_ = 	snop  }
0x5: {  	_ = 	snop  }
0x6: {  	_ = 	snop  }
0x7: {  	_ = 	snop  }
__scs_overlays_trampoline_lowered:
0x8: {  	[smem:$0x3FAE] =	sst s0  }
0x9: {  	[smem:$0x3FAF] =	sst s1  }
0xa: {  	[smem:$0x3FB0] =	sst s2  }
0xb: {  	[smem:$0x3FB1] =	sst s3  }
0xc: {  	[smem:$0x3FB2] =	sst s4  }
0xd: {  	[smem:$0x3FB3] =	sst s5  }
0xe: {  	[smem:$0x3FB4] =	sst s6  }
0xf: {  	[smem:$0x3FB5] =	sst s7  }
0x10: {  	[smem:$0x3FB6] =	sst s8  }
0x11: {  	[smem:$0x3FB7] =	sst s9;
	s0 =	simm.s32 @!p0 $0x0  }
0x12: {  	s1 =	sld [smem:$0x3F9D];
	s0 =	simm.s32 @p0 $0x1  }
0x13: {  	[smem:$0x3FB8] =	sst s0;
	s0 =	simm.s32 @!p1 $0x0  }
0x14: {  	s2 =	sld [smem:$0x3F9C];
	s0 =	simm.s32 @p1 $0x1  }
0x15: {  	[smem:$0x3FB9] =	sst s0;
	s0 =	simm.s32 @!p2 $0x0  }
0x16: {  	s3 =	sld [smem:$0x3FDB];
	s0 =	simm.s32 @p2 $0x1  }
0x17: {  	s4 =	simm.s32 $0x1BF5;
	[smem:$0x3FBB] =	sst s0  }
0x18: {  	s0 =	sld [smem:$0x3F9E];
	_ =	swait.ge [sflag:s4], $0x0  }
0x19: {  	s7 =	sld [smem:$0x3F9F]  }
0x1a: {  	s8 =	sadd.s32 $0xFFFFE003, lr  }
0x1b: {  	s9 =	sadd.s32 $0xFFFFFEF7, lr;
	s5 =	simm.s32 $0xFFFFFFFF;
	p2 =	slt.u32 s8, $0xFFFFF086  }
0x1c: {  	p1 =	slt.u32 s9, $0xF7A;
	s5 =	simm.s32 @!p2 $0x0  }
0x1d: {  	s5 =	simm.s32 @p1 $0x1;
	p0 =	seq.s32 s7, s2  }
0x1e: {  	s7 =	smul.u32 @!p0 $0xF7A, s2;
	p2 =	seq.s32 @!p0 s5, $0x0  }
0x1f: {  	s9 =	smul.u32 $0xF7A, s1;
	s8 =	simm.s32 @!p0 $0x1BF5;
	p2 =	por !p2, p0  }
0x20: {  	[sflag:s8] =	ssyncset.s32 @!p0 $0xFFFFF086;
	s6 =	sadd.s32 @!p0 s3, s7;
	s7 =	simm.s32 @!p0 $0x108  }
0x21: {  	s3 =	sadd.s32 s3, s9;
	s6 =	sadd.s32 @!p0 $0x88, s6;
	s7 =	simm.s32 @p2 $0x1082  }
0x22: {  	[simem:s7], [sflag:s8] =	dma.local @!p0 [hbm:s6], $0xF7A  }
0x23: {  	s9 =	sor.u32 $0xD0000000, s2;
	s6 =	simm.s32 $0x108;
	_ =	swait.ge @!p0 [sflag:s8], $0x0  }
0x24: {  	s3 =	sadd.s32 $0x88, s3;
	s6 =	simm.s32 @!p1 $0x1082;
	[sflag:s4] =	ssyncset.s32 $0xFFFFF086  }
0x25: {  	[simem:s6], [sflag:s4] =	dma.local [hbm:s3], $0xF7A  }
0x26: {  	[smem:$0x3F9F] =	sst s1;
	(tag) =	ssettag s2;
	_ =	strace s9  }
0x27: {  	s1 =	sld [smem:$0x3FAF]  }
0x28: {  	s2 =	sld [smem:$0x3FB0]  }
0x29: {  	s4 =	sld [smem:$0x3FB2]  }
0x2a: {  	p0 =	seq.s32 s5, $0x0;
	s5 =	sld [smem:$0x3FB3]  }
0x2b: {  	s6 =	sld [smem:$0x3FB4]  }
0x2c: {  	s7 =	sld [smem:$0x3FB5]  }
0x2d: {  	s3 =	simm.s32 $0x108;
	s8 =	sld [smem:$0x3FB6]  }
0x2e: {  	s3 =	simm.s32 @!p0 $0x1082;
	s9 =	sld [smem:$0x3FB7]  }
0x2f: {  	lr =	sadd.s32 s0, s3;
	s0 =	sld [smem:$0x3FAE]  }
0x30: {  	s3 =	sld [smem:$0x3FB1]  }
0x31: {  	[smem:$0x3FBA] =	sst s10  }
0x32: {  	s10 =	sld [smem:$0x3FB8];
	_ =	sdelay $0x3  }
0x33: {  	p0 =	seq.s32 s10, $0x1;
	s10 =	sld [smem:$0x3FBA];
	_ =	sdelay $0x3  }
0x34: {  	[smem:$0x3FBA] =	sst s10  }
0x35: {  	s10 =	sld [smem:$0x3FB9];
	_ =	sdelay $0x3  }
0x36: {  	p1 =	seq.s32 s10, $0x1;
	s10 =	sld [smem:$0x3FBA];
	_ =	sdelay $0x3  }
0x37: {  	[smem:$0x3FBA] =	sst s10  }
0x38: {  	s10 =	sld [smem:$0x3FBB]  }
0x39: {  	_ = 	snop;
	(pc) =	sbr.ind lr, $3  }
0x3a: {  	_ = 	snop  }
0x3b: {  	_ = 	snop  }
0x3c: {  	p2 =	seq.s32 s10, $0x1;
	s10 =	sld [smem:$0x3FBA]  }
0x3d: {  	_ =	shalt  }
0x3e: {  	_ =	shalt  }
0x3f: {  	_ =	shalt  }
0x40: {  	_ =	shalt  }
0x41: {  	_ =	shalt  }
0x42: {  	_ =	shalt  }
0x43: {  	_ =	shalt  }
0x44: {  	_ =	shalt  }
0x45: {  	_ =	shalt  }
0x46: {  	_ =	shalt  }
0x47: {  	_ =	shalt  }
0x48: {  	_ =	shalt  }
0x49: {  	_ =	shalt  }
0x4a: {  	_ =	shalt  }
0x4b: {  	_ =	shalt  }
0x4c: {  	_ =	shalt  }
0x4d: {  	_ =	shalt  }
0x4e: {  	_ =	shalt  }
0x4f: {  	_ =	shalt  }
0x50: {  	_ =	shalt  }
0x51: {  	_ =	shalt  }
0x52: {  	_ =	shalt  }
0x53: {  	_ =	shalt  }
0x54: {  	_ =	shalt  }
0x55: {  	_ =	shalt  }
0x56: {  	_ =	shalt  }
0x57: {  	_ =	shalt  }
0x58: {  	_ =	shalt  }
0x59: {  	_ =	shalt  }
0x5a: {  	_ =	shalt  }
0x5b: {  	_ =	shalt  }
0x5c: {  	_ =	shalt  }
0x5d: {  	_ =	shalt  }
0x5e: {  	_ =	shalt  }
0x5f: {  	_ =	shalt  }
0x60: {  	_ =	shalt  }
0x61: {  	_ =	shalt  }
0x62: {  	_ =	shalt  }
0x63: {  	_ =	shalt  }
0x64: {  	_ =	shalt  }
0x65: {  	_ =	shalt  }
0x66: {  	_ =	shalt  }
0x67: {  	_ =	shalt  }
0x68: {  	_ =	shalt  }
0x69: {  	_ =	shalt  }
0x6a: {  	_ =	shalt  }
0x6b: {  	_ =	shalt  }
0x6c: {  	_ =	shalt  }
0x6d: {  	_ =	shalt  }
0x6e: {  	_ =	shalt  }
0x6f: {  	_ =	shalt  }
0x70: {  	_ =	shalt  }
0x71: {  	_ =	shalt  }
0x72: {  	_ =	shalt  }
0x73: {  	_ =	shalt  }
0x74: {  	_ =	shalt  }
0x75: {  	_ =	shalt  }
0x76: {  	_ =	shalt  }
0x77: {  	_ =	shalt  }
0x78: {  	_ =	shalt  }
0x79: {  	_ =	shalt  }
0x7a: {  	_ =	shalt  }
0x7b: {  	_ =	shalt  }
0x7c: {  	_ =	shalt  }
0x7d: {  	_ =	shalt  }
0x7e: {  	_ =	shalt  }
0x7f: {  	_ =	shalt  }
0x80: {  	_ =	shalt  }
0x81: {  	_ =	shalt  }
0x82: {  	_ =	shalt  }
0x83: {  	_ =	shalt  }
0x84: {  	_ =	shalt  }
0x85: {  	_ =	shalt  }
0x86: {  	_ =	shalt  }
0x87: {  	_ =	shalt  }
.Lfunc_end0:
.L_simem_size_0:
called_computation_lowered:
.L_overlay_start_0:
0x88: {  	s2 =	sld [smem:$0x3FD9]  }
0x89: {  	s3 =	sld [smem:$0x3FFE];
	_ =	sdelay $0x1  }
0x8a: {  	s1 =	srdreg.scid  }
0x8b: {  	s0 =	sand.u32 $0x1, s1  }
0x8c: {  	s17 =	sshll.u32 s0, $0xA;
	s2 =	sadd.s32 s3, s2  }
0x8d: {  	s2 =	sadd.s32 s2, s17  }
0x8e: {  	[smem:$0x3FC6] =	sst s2  }
0x8f: {  	_ = 	snop  }
0x90: {  	s2 =	sld [smem:$0x3FC9]  }
0x91: {  	s18 =	sld [smem:$0x3FD0];
	(tm) =	ssettm $0x1  }
0x92: {  	s4 =	sld [smem:$0x3FFB];
	_ =	sdelay $0x3  }
0x93: {  	_ =	strace s4  }
0x94: {  	s4 =	sld [smem:$0x3FFC];
	_ =	sdelay $0x3  }
0x95: {  	_ =	strace s4  }
0x96: {  	s4 =	sld [smem:$0x3FFD];
	_ =	sdelay $0x3  }
0x97: {  	_ =	strace s4  }
0x98: {  	_ =	strace $0x8FFFFFFF  }
0x99: {  	s19 =	sld [smem:$0x3FDB];
	_ =	sdelay $0x1  }
0x9a: {  	s5 =	simm.s32 $_scs_section_size  }
0x9b: {  	s6 =	simm.s32 $_size__tile_overlayer_lowered;
	s7 =	simm.s32 $_tile_overlayer_lowered  }
0x9c: {  	s22 =	simm.s32 $0x1BFF;
	s21 =	sshll.u32 s7, $0x1;
	s4 =	sadd.s32 s5, s19  }
0x9d: {  	s8 =	simm.s32 $0x0;
	s20 =	sshll.u32 s6, $0x1;
	s6 =	sadd.s32 s21, s4  }
0x9e: {  	[timem:s8], [sflag:s22] =	dma.local [hbm:s6], s20  }
0x9f: {  	_ =	swait.ge [sflag:s22], s20  }
0xa0: {  	s5 =	ssub.s32 $0x0, s20;
	[sflag:s22] =	ssyncset.done $0x0  }
0xa1: {  	[sflag:s22] =	ssyncadd.s32 s5;
	_ =	sdelay $0x1  }
0xa2: {  	s23 =	simm.s32 $0x1B8B  }
0xa3: {  	_ =	swait.ge [sflag:s23], $0x1  }
0xa4: {  	[sflag:s23] =	ssyncset.done $0x0  }
0xa5: {  	s25 =	simm.s32 $0x1B8E;
	s24 =	sld [smem:$0x3FFE];
	[sflag:s23] =	ssyncadd.s32 $0xFFFFFFFF  }
0xa6: {  	s26 =	simm.s32 $execute0_lowered;
	[smem:$0x3FD2] =	sst s25  }
0xa7: {  	s6 =	sshll.u32 s26, $0x1;
	_ =	strace $0x80000046;
	[dreg:$0x1] =	wrdreg $0xFFFFFFFF  }
0xa8: {  	s28 =	simm.s32 $_size_execute0_lowered;
	s4 =	sadd.s32 s4, s6;
	[dreg:$0x0] =	wrdreg $0x0  }
0xa9: {  	s6 =	sshll.u32 s28, $0x1;
	[dreg:$0x2] =	wrdreg s4  }
0xaa: {  	[dreg:$0x3] =	wrdreg s6  }
0xab: {  	[dreg:$0x4] =	wrdreg $0xC0  }
0xac: {  	_ =	task [dreg:s8], $0x5FFFF  }
0xad: {  	[dreg:$0x1] =	wrdreg $0xFFFFFFFF  }
0xae: {  	[dreg:$0x0] =	wrdreg $0x60  }
0xaf: {  	[dreg:$0x2] =	wrdreg s2  }
0xb0: {  	[dreg:$0x3] =	wrdreg s24  }
0xb1: {  	[dreg:$0x4] =	wrdreg s18  }
0xb2: {  	[dreg:$0x5] =	wrdreg $0x9  }
0xb3: {  	_ =	task.clear_ibuf [dreg:s8], $0x6FFFF;
	_ =	strace $0x90000046  }
0xb4: {  	s29 =	simm.s32 $0x9;
	_ =	strace $0x80000048  }
0xb5: {  	_ =	swait.ge [sflag:s29], $0x1  }
0xb6: {  	[sflag:s29] =	ssyncadd.s32 $0xFFFFFFFF  }
0xb7: {  	_ =	strace $0x90000048  }
0xb8: {  	_ =	sfence  }
0xb9: {  	s30 =	sld [smem:$0x0];
	_ =	sdelay $0x2  }
0xba: {  	s31 =	sshll.u32 s1, $0xD;
	s1 =	sshrl.u32 s1, $0x2  }
0xbb: {  	s3 =	sand.u32 $0x4000, s31;
	s1 =	sadd.s32 s1, s30  }
0xbc: {  	s0 =	sor.u32 s3, s0;
	s1 =	sshll.u32 s1, $0x11  }
0xbd: {  	s0 =	sor.u32 s1, s0  }
0xbe: {  	s0 =	sadd.s32 $0x8F2B, s0  }
0xbf: {  	[sflag:s0] =	ssyncadd.remote.s32 $0x1  }
0xc0: {  	_ =	sfence.sel $0xFFFF  }
0xc1: {  	[dreg:$0x0] =	wrdreg $0xFFFFFFFF;
	(pc) =	sbr.abs _section_cstart, $3  }
0xc2: {  	[dreg:$0x1] =	wrdreg $0xFFFFFFFF  }
0xc3: {  	_ =	task.clear_ibuf [dreg:s8], $0x2FFFF;
	_ =	strace $0x9FFFFFFF  }
0xc4: {  	(tm) =	ssettm $0x7FFFFFFF  }
0xc5: {  	_ =	shalt  }
tec
execute0_lowered:
.L_overlay_start_1:
0x0: {  	(tag) =	ssettag $0x1  }
0x1: {  	s0 =	rddreg [dreg:$0x0]  }
0x2: {  	s3 =	rddreg [dreg:$0x1]  }
0x3: {  	s1 =	rddreg [dreg:$0x2];
	s4 =	srdreg.scid;
	s2 =	simm.s32 $0x0  }
0x4: {  	s6 =	stileid.u32;
	s17 =	simm.s32 $0x3F00;
	s18 =	simm.s32 $0x5F00  }
0x5: {  	s19 =	simm.s32 $0x7F00;
	s20 =	simm.s32 $0x9F00;
	s21 =	simm.s32 $0xBF00  }
0x6: {  	s22 =	simm.s32 $0xDF00;
	s23 =	simm.s32 $0xFF00;
	s4 =	sand.u32 $0x1, s4  }
0x7: {  	[smem:$0x7FF] =	sst s2;
	s3 =	sadd.s32 $0x400, s3;
	s5 =	ssub.s32 $0x2, s4  }
0x8: {  	_ =	strace $0x80000047;
	s7 =	sshll.u32 s4, $0xA;
	s30 =	sshrl.u32 s5, $0x1  }
0x9: {  	[dreg:$0x4] =	wrdreg s3;
	s0 =	sadd.s32 s0, s7;
	s3 =	ssub.s32 s5, s30  }
0xa: {  	s5 =	smul.u32 $0x31, s6;
	s6 =	sshll.u32 s4, $0xD;
	[dreg:$0x5] =	wrdreg s0  }
0xb: {  	s4 =	simm.s32 $0x0;
	s8 =	sor.u32 $0x4000, s6;
	s9 =	sor.u32 $0x8000, s6  }
0xc: {  	s10 =	sor.u32 $0xC000, s6;
	s11 =	sor.u32 $0x10000, s6;
	s31 =	smax.u32 s3, $0x1  }
0xd: {  	s12 =	sor.u32 $0x14000, s6;
	s13 =	sor.u32 $0x18000, s6;
	[dreg:$0x6] =	wrdreg s31  }
.LBB2_1:
0xe: {  	[dreg:$0x7] =	wrdreg s4  }
0xf: {  	s0 =	rddreg [dreg:$0x4];
	s3 =	simm.s32 $0x8  }
0x10: {  	[tilespmem:s2], [sflag:$0x8] =	stream.linear.gather [hbm4b:s0+s2], $0x1F00, $0x38;
	[tilespmem:$0x11F00] =	vst v63  }
0x11: {  	_ =	swait.ge [sflag:s3], $0x1F00  }
0x12: {  	[sflag:s3] =	ssyncset.done $0x0  }
0x13: {  	s31 =	simm.s32 $0x1F00;
	s30 =	rddreg [dreg:$0x5];
	[sflag:s3] =	ssyncadd.s32 $0xFFFFE100  }
0x14: {  	[tilespmem:s31], [sflag:$0x8] =	stream.linear.gather [hbm4b:s30+s2], $0x2000, $0x38;
	[tilespmem:$0x11F00] =	vst v63  }
0x15: {  	_ =	swait.ge [sflag:s3], $0x2000  }
0x16: {  	[sflag:s3] =	ssyncset.done $0x0  }
0x17: {  	[sflag:s3] =	ssyncadd.s32 $0xFFFFE000;
	s3 =	simm.s32 $0x0  }
.LBB2_2:
0x18: {  	p0 =	seq.s32 s3, $0x0  }
0x19: {  	s0 =	simm.s32 @!p0 $0x1  }
0x1a: {  	_ =	swait.ge @!p0 [sflag:s0], $0x2000  }
0x1b: {  	[sflag:s0] =	ssyncset.done @!p0 $0x0  }
0x1c: {  	[sflag:s0] =	ssyncadd.s32 @!p0 $0xFFFFE000;
	s0 =	simm.s32 @!p0 $0x2  }
0x1d: {  	_ =	swait.ge @!p0 [sflag:s0], $0x2000  }
0x1e: {  	[sflag:s0] =	ssyncset.done @!p0 $0x0  }
0x1f: {  	[sflag:s0] =	ssyncadd.s32 @!p0 $0xFFFFE000;
	s0 =	simm.s32 @!p0 $0x3  }
0x20: {  	_ =	swait.ge @!p0 [sflag:s0], $0x2000  }
0x21: {  	[sflag:s0] =	ssyncset.done @!p0 $0x0  }
0x22: {  	[sflag:s0] =	ssyncadd.s32 @!p0 $0xFFFFE000;
	s0 =	simm.s32 @!p0 $0x4  }
0x23: {  	_ =	swait.ge @!p0 [sflag:s0], $0x2000  }
0x24: {  	[sflag:s0] =	ssyncset.done @!p0 $0x0  }
0x25: {  	[sflag:s0] =	ssyncadd.s32 @!p0 $0xFFFFE000;
	s0 =	simm.s32 @!p0 $0x5  }
0x26: {  	_ =	swait.ge @!p0 [sflag:s0], $0x2000  }
0x27: {  	[sflag:s0] =	ssyncset.done @!p0 $0x0  }
0x28: {  	[sflag:s0] =	ssyncadd.s32 @!p0 $0xFFFFE000;
	s0 =	simm.s32 @!p0 $0x6  }
0x29: {  	s4 =	smul.u32 $0x7, s3;
	_ =	swait.ge @!p0 [sflag:s0], $0x2000  }
0x2a: {  	[sflag:s0] =	ssyncset.done @!p0 $0x0  }
0x2b: {  	s16 =	sadd.s32 s5, s4;
	[sflag:s0] =	ssyncadd.s32 @!p0 $0xFFFFE000;
	s0 =	simm.s32 @!p0 $0x7  }
0x2c: {  	s4 =	smul.u32 $0x28, s16;
	_ =	swait.ge @!p0 [sflag:s0], $0x2000  }
0x2d: {  	[sflag:s0] =	ssyncset.done @!p0 $0x0  }
0x2e: {  	s4 =	sshra.s32 s4, $0x2;
	[sflag:s0] =	ssyncadd.s32 @!p0 $0xFFFFE000  }
0x2f: {  	s24 =	simm.s32 $0x1F80;
	v1 =	vld [tilespmem:s4+$0x0]  }
0x30: {  	v0 =	vld [tilespmem:s24+$0x0]  }
0x31: {  	v2 =	vld [tilespmem:s24+$0x10]  }
0x32: {  	v3 =	vld [tilespmem:s24+$0x20]  }
0x33: {  	v4 =	vld [tilespmem:s24+$0x30]  }
0x34: {  	v5 =	vld [tilespmem:s24+$0x40]  }
0x35: {  	v6 =	vld [tilespmem:s24+$0x50];
	v20 =	vand.u32 $0xF, v0  }
0x36: {  	v0 =	vld [tilespmem:s24+$0x60];
	v21 =	vand.u32 $0xF, v2;
	v7 =	vperm.xlane v1, v20  }
0x37: {  	s7 =	simm.s32 $0x3F80;
	v2 =	vld [tilespmem:s24+$0x70];
	v22 =	vand.u32 $0xF, v3;
	v8 =	vperm.xlane v1, v21  }
0x38: {  	v9 =	vand.u32 $0xF, v4;
	v3 =	vperm.xlane v1, v22;
	[tilespmem:s7+$0x0] =	vst v7  }
0x39: {  	v10 =	vand.u32 $0xF, v5;
	v4 =	vperm.xlane v1, v9;
	[tilespmem:s7+$0x10] =	vst v8  }
0x3a: {  	v11 =	vand.u32 $0xF, v6;
	[tilespmem:s7+$0x20] =	vst v3;
	v3 =	vperm.xlane v1, v10  }
0x3b: {  	[tilespmem:s7+$0x30] =	vst v4;
	v4 =	vperm.xlane v1, v11;
	v12 =	vand.u32 $0xF, v0  }
0x3c: {  	[tilespmem:s7+$0x40] =	vst v3;
	v0 =	vand.u32 $0xF, v2;
	v3 =	vperm.xlane v1, v12  }
0x3d: {  	[tilespmem:s7+$0x50] =	vst v4;
	v4 =	vperm.xlane v1, v0  }
0x3e: {  	v2 =	vld [tilespmem:s24+$0xFFFFFF90];
	[tilespmem:s7+$0x60] =	vst v3  }
0x3f: {  	v17 =	vld [tilespmem:s24+$0xFFFFFFE0];
	[tilespmem:s7+$0x70] =	vst v4  }
0x40: {  	v4 =	vld [tilespmem:s4+$0xA]  }
0x41: {  	v19 =	vld [tilespmem:s24+$0xFFFFFF80]  }
0x42: {  	v5 =	vld [tilespmem:s24+$0xFFFFFFA0]  }
0x43: {  	v6 =	vld [tilespmem:s24+$0xFFFFFFC0];
	v8 =	vand.u32 $0xF, v2  }
0x44: {  	v7 =	vld [tilespmem:s24+$0xFFFFFFD0];
	v13 =	vperm.xlane v1, v8  }
0x45: {  	v3 =	vld [tilespmem:s24+$0xFFFFFFB0];
	v14 =	vperm.xlane v4, v20  }
0x46: {  	s25 =	simm.s32 $0x5F80;
	v2 =	vld [tilespmem:s24+$0xFFFFFFF0];
	[tilespmem:s7+$0xFFFFFF90] =	vst v13;
	v13 =	vperm.xlane v4, v21  }
0x47: {  	v15 =	vperm.xlane v4, v11;
	[tilespmem:s25+$0x0] =	vst v14  }
0x48: {  	v16 =	vperm.xlane v4, v12;
	[tilespmem:s25+$0x10] =	vst v13  }
0x49: {  	v14 =	vperm.xlane v4, v22;
	[tilespmem:s25+$0x50] =	vst v15  }
0x4a: {  	v13 =	vperm.xlane v4, v9;
	[tilespmem:s25+$0x60] =	vst v16  }
0x4b: {  	[tilespmem:s25+$0x20] =	vst v14;
	v14 =	vperm.xlane v4, v10  }
0x4c: {  	[tilespmem:s25+$0x30] =	vst v13;
	v13 =	vand.u32 $0xF, v5;
	v4 =	vperm.xlane v4, v0  }
0x4d: {  	v18 =	vand.u32 $0xF, v2;
	v5 =	vperm.xlane v1, v13;
	[tilespmem:s25+$0x40] =	vst v14  }
0x4e: {  	v15 =	vand.u32 $0xF, v6;
	v2 =	vperm.xlane v1, v18;
	[tilespmem:s25+$0x70] =	vst v4  }
0x4f: {  	v14 =	vand.u32 $0xF, v3;
	v4 =	vperm.xlane v1, v15;
	[tilespmem:s7+$0xFFFFFFA0] =	vst v5;
	v5 =	vld [tilespmem:s4+$0x14]  }
0x50: {  	v17 =	vand.u32 $0xF, v17;
	[tilespmem:s7+$0xFFFFFFF0] =	vst v2;
	v3 =	vperm.xlane v1, v14  }
0x51: {  	v16 =	vand.u32 $0xF, v7;
	[tilespmem:s7+$0xFFFFFFC0] =	vst v4;
	v4 =	vperm.xlane v1, v17  }
0x52: {  	v19 =	vand.u32 $0xF, v19;
	[tilespmem:s7+$0xFFFFFFB0] =	vst v3;
	v3 =	vperm.xlane v1, v16  }
0x53: {  	v1 =	vperm.xlane v1, v19;
	[tilespmem:s7+$0xFFFFFFE0] =	vst v4  }
0x54: {  	[tilespmem:s7+$0xFFFFFFD0] =	vst v3;
	v2 =	vperm.xlane v5, v20  }
0x55: {  	s14 =	simm.s32 $0x7F80;
	[tilespmem:s7+$0xFFFFFF80] =	vst v1;
	v1 =	vperm.xlane v5, v21  }
0x56: {  	[tilespmem:s14+$0x0] =	vst v2;
	v2 =	vperm.xlane v5, v22  }
0x57: {  	[tilespmem:s14+$0x10] =	vst v1;
	v1 =	vperm.xlane v5, v9  }
0x58: {  	[tilespmem:s14+$0x20] =	vst v2;
	v2 =	vperm.xlane v5, v10  }
0x59: {  	[tilespmem:s14+$0x30] =	vst v1;
	v1 =	vperm.xlane v5, v11  }
0x5a: {  	[tilespmem:s14+$0x40] =	vst v2;
	v2 =	vperm.xlane v5, v12  }
0x5b: {  	[tilespmem:s14+$0x50] =	vst v1;
	v1 =	vperm.xlane v5, v0  }
0x5c: {  	[tilespmem:s14+$0x60] =	vst v2;
	v2 =	vld [tilespmem:s4+$0xA]  }
0x5d: {  	[tilespmem:s14+$0x70] =	vst v1  }
0x5e: {  	v1 =	vld [tilespmem:s4+$0x1E];
	_ =	sdelay $0x2  }
0x5f: {  	v3 =	vperm.xlane v2, v19  }
0x60: {  	v5 =	vperm.xlane v2, v15  }
0x61: {  	v4 =	vperm.xlane v1, v20;
	[tilespmem:s25+$0xFFFFFF80] =	vst v3  }
0x62: {  	s26 =	simm.s32 $0x9F80;
	v3 =	vperm.xlane v1, v21;
	[tilespmem:s25+$0xFFFFFFC0] =	vst v5  }
0x63: {  	[tilespmem:s26+$0x0] =	vst v4;
	v4 =	vperm.xlane v1, v22  }
0x64: {  	[tilespmem:s26+$0x10] =	vst v3;
	v3 =	vperm.xlane v1, v9  }
0x65: {  	[tilespmem:s26+$0x20] =	vst v4;
	v4 =	vperm.xlane v1, v10  }
0x66: {  	[tilespmem:s26+$0x30] =	vst v3;
	v3 =	vperm.xlane v1, v11  }
0x67: {  	[tilespmem:s26+$0x40] =	vst v4;
	v4 =	vperm.xlane v1, v12  }
0x68: {  	v1 =	vperm.xlane v1, v0;
	[tilespmem:s26+$0x50] =	vst v3  }
0x69: {  	v3 =	vperm.xlane v2, v8;
	[tilespmem:s26+$0x60] =	vst v4  }
0x6a: {  	v4 =	vperm.xlane v2, v13;
	[tilespmem:s26+$0x70] =	vst v1  }
0x6b: {  	v1 =	vperm.xlane v2, v14;
	[tilespmem:s25+$0xFFFFFF90] =	vst v3;
	v3 =	vld [tilespmem:s4+$0x28]  }
0x6c: {  	[tilespmem:s25+$0xFFFFFFA0] =	vst v4;
	v4 =	vperm.xlane v2, v16  }
0x6d: {  	[tilespmem:s25+$0xFFFFFFB0] =	vst v1;
	v1 =	vperm.xlane v2, v17  }
0x6e: {  	v2 =	vperm.xlane v2, v18;
	[tilespmem:s25+$0xFFFFFFD0] =	vst v4  }
0x6f: {  	[tilespmem:s25+$0xFFFFFFE0] =	vst v1  }
0x70: {  	[tilespmem:s25+$0xFFFFFFF0] =	vst v2;
	v1 =	vperm.xlane v3, v20  }
0x71: {  	s15 =	simm.s32 $0xBF80;
	v4 =	vld [tilespmem:s4+$0x14];
	v2 =	vperm.xlane v3, v21  }
0x72: {  	[tilespmem:s15+$0x0] =	vst v1;
	v1 =	vperm.xlane v3, v22  }
0x73: {  	[tilespmem:s15+$0x10] =	vst v2;
	v2 =	vperm.xlane v3, v9  }
0x74: {  	[tilespmem:s15+$0x20] =	vst v1;
	v1 =	vperm.xlane v3, v10  }
0x75: {  	[tilespmem:s15+$0x30] =	vst v2;
	v2 =	vperm.xlane v3, v11  }
0x76: {  	v5 =	vperm.xlane v4, v14;
	[tilespmem:s15+$0x40] =	vst v1  }
0x77: {  	v1 =	vperm.xlane v3, v12;
	[tilespmem:s15+$0x50] =	vst v2  }
0x78: {  	v2 =	vperm.xlane v3, v0;
	[tilespmem:s14+$0xFFFFFFB0] =	vst v5  }
0x79: {  	v3 =	vperm.xlane v4, v19;
	[tilespmem:s15+$0x60] =	vst v1  }
0x7a: {  	v5 =	vperm.xlane v4, v17;
	[tilespmem:s15+$0x70] =	vst v2  }
0x7b: {  	v2 =	vperm.xlane v4, v13;
	[tilespmem:s14+$0xFFFFFF80] =	vst v3;
	v3 =	vld [tilespmem:s4+$0x32]  }
0x7c: {  	v1 =	vperm.xlane v4, v8;
	[tilespmem:s14+$0xFFFFFFE0] =	vst v5  }
0x7d: {  	[tilespmem:s14+$0xFFFFFFA0] =	vst v2;
	v2 =	vperm.xlane v4, v16  }
0x7e: {  	[tilespmem:s14+$0xFFFFFF90] =	vst v1;
	v1 =	vperm.xlane v4, v15  }
0x7f: {  	[tilespmem:s14+$0xFFFFFFD0] =	vst v2;
	v2 =	vperm.xlane v4, v18  }
0x80: {  	[tilespmem:s14+$0xFFFFFFC0] =	vst v1;
	v1 =	vperm.xlane v3, v20  }
0x81: {  	s0 =	simm.s32 $0xDF80;
	v4 =	vperm.xlane v3, v21;
	[tilespmem:s14+$0xFFFFFFF0] =	vst v2  }
0x82: {  	v2 =	vperm.xlane v3, v9;
	[tilespmem:s0+$0x0] =	vst v1  }
0x83: {  	v1 =	vperm.xlane v3, v22;
	[tilespmem:s0+$0x10] =	vst v4;
	v4 =	vld [tilespmem:s4+$0x1E]  }
0x84: {  	[tilespmem:s0+$0x30] =	vst v2;
	v2 =	vperm.xlane v3, v11  }
0x85: {  	[tilespmem:s0+$0x20] =	vst v1;
	v1 =	vperm.xlane v3, v10  }
0x86: {  	[tilespmem:s0+$0x50] =	vst v2;
	v2 =	vperm.xlane v3, v0  }
0x87: {  	[tilespmem:s0+$0x40] =	vst v1;
	v1 =	vperm.xlane v3, v12  }
0x88: {  	[tilespmem:s0+$0x70] =	vst v2;
	v2 =	vperm.xlane v4, v8  }
0x89: {  	v3 =	vperm.xlane v4, v13;
	[tilespmem:s0+$0x60] =	vst v1  }
0x8a: {  	v1 =	vperm.xlane v4, v19;
	[tilespmem:s26+$0xFFFFFF90] =	vst v2  }
0x8b: {  	v2 =	vperm.xlane v4, v15;
	[tilespmem:s26+$0xFFFFFFA0] =	vst v3  }
0x8c: {  	v3 =	vperm.xlane v4, v16;
	[tilespmem:s26+$0xFFFFFF80] =	vst v1  }
0x8d: {  	v1 =	vperm.xlane v4, v14;
	[tilespmem:s26+$0xFFFFFFC0] =	vst v2  }
0x8e: {  	v2 =	vperm.xlane v4, v18;
	[tilespmem:s26+$0xFFFFFFD0] =	vst v3  }
0x8f: {  	[tilespmem:s26+$0xFFFFFFB0] =	vst v1;
	v1 =	vperm.xlane v4, v17  }
0x90: {  	[tilespmem:s26+$0xFFFFFFF0] =	vst v2  }
0x91: {  	v26 =	vld [tilespmem:s4+$0x3C];
	[tilespmem:s26+$0xFFFFFFE0] =	vst v1  }
0x92: {  	s14 =	simm.s32 $0x2080;
	v32 =	vld [tilespmem:s4+$0x28]  }
0x93: {  	v3 =	vld [tilespmem:s14+$0x10];
	_ =	sdelay $0x1  }
0x94: {  	v1 =	vld [tilespmem:s14+$0x0]  }
0x95: {  	v0 =	vperm.xlane v26, v0  }
0x96: {  	v33 =	vld [tilespmem:s4+$0x0];
	s7 =	simm.s32 $0xFF80;
	v2 =	vperm.xlane v32, v19  }
0x97: {  	[tilespmem:s7+$0x70] =	vst v0;
	v23 =	vand.u32 $0xF, v3;
	v3 =	vld [tilespmem:s14+$0x70];
	v0 =	vperm.xlane v32, v8  }
0x98: {  	v4 =	vld [tilespmem:s14+$0x20];
	v5 =	vperm.xlane v32, v13;
	[tilespmem:s15+$0xFFFFFF80] =	vst v2  }
0x99: {  	v30 =	vand.u32 $0xF, v1;
	v1 =	vld [tilespmem:s14+$0x60];
	v6 =	vperm.xlane v32, v14;
	[tilespmem:s15+$0xFFFFFF90] =	vst v0  }
0x9a: {  	v7 =	vperm.xlane v32, v15;
	v2 =	vld [tilespmem:s14+$0x30];
	[tilespmem:s15+$0xFFFFFFA0] =	vst v5  }
0x9b: {  	v0 =	vld [tilespmem:s14+$0x40];
	[tilespmem:s15+$0xFFFFFFB0] =	vst v6;
	v6 =	vperm.xlane v33, v30  }
0x9c: {  	s24 =	simm.s32 $0x4080;
	v31 =	vand.u32 $0xF, v3;
	v5 =	vld [tilespmem:s14+$0x50];
	[tilespmem:s15+$0xFFFFFFC0] =	vst v7;
	v7 =	vperm.xlane v33, v23  }
0x9d: {  	v24 =	vand.u32 $0xF, v4;
	v3 =	vperm.xlane v33, v31;
	[tilespmem:s24+$0x0] =	vst v6  }
0x9e: {  	v6 =	vperm.xlane v33, v24;
	[tilespmem:s24+$0x10] =	vst v7;
	v29 =	vand.u32 $0xF, v1  }
0x9f: {  	v4 =	vld [tilespmem:s14+$0xFFFFFF90];
	[tilespmem:s24+$0x70] =	vst v3;
	v1 =	vperm.xlane v33, v29;
	v25 =	vand.u32 $0xF, v2  }
0xa0: {  	[tilespmem:s24+$0x20] =	vst v6;
	v2 =	vld [tilespmem:s14+$0xFFFFFFA0];
	v27 =	vand.u32 $0xF, v0;
	v7 =	vperm.xlane v33, v25  }
0xa1: {  	v34 =	vld [tilespmem:s14+$0xFFFFFFB0];
	v28 =	vand.u32 $0xF, v5;
	[tilespmem:s24+$0x60] =	vst v1;
	v0 =	vperm.xlane v33, v27  }
0xa2: {  	v5 =	vld [tilespmem:s14+$0xFFFFFFC0];
	v6 =	vperm.xlane v33, v28;
	[tilespmem:s24+$0x30] =	vst v7  }
0xa3: {  	v7 =	vld [tilespmem:s14+$0xFFFFFFD0];
	[tilespmem:s24+$0x40] =	vst v0  }
0xa4: {  	v35 =	vld [tilespmem:s14+$0xFFFFFFE0];
	[tilespmem:s24+$0x50] =	vst v6;
	v6 =	vperm.xlane v32, v16;
	v0 =	vand.u32 $0xF, v4  }
0xa5: {  	v4 =	vperm.xlane v33, v0;
	v47 =	vld [tilespmem:s4+$0xA];
	v1 =	vand.u32 $0xF, v2  }
0xa6: {  	v36 =	vld [tilespmem:s14+$0xFFFFFFF0];
	[tilespmem:s15+$0xFFFFFFD0] =	vst v6;
	v6 =	vperm.xlane v33, v1  }
0xa7: {  	v37 =	vld [tilespmem:s14+$0xFFFFFF80];
	v20 =	vperm.xlane v26, v20;
	v3 =	vand.u32 $0xF, v5;
	[tilespmem:s24+$0xFFFFFF90] =	vst v4  }
0xa8: {  	[tilespmem:s24+$0xFFFFFFA0] =	vst v6;
	v6 =	vperm.xlane v33, v3;
	v4 =	vand.u32 $0xF, v7  }
0xa9: {  	[tilespmem:s7+$0x0] =	vst v20;
	v7 =	vperm.xlane v33, v4  }
0xaa: {  	v48 =	vperm.xlane v47, v28;
	[tilespmem:s24+$0xFFFFFFC0] =	vst v6  }
0xab: {  	s25 =	simm.s32 $0x6080;
	v49 =	vperm.xlane v47, v29;
	[tilespmem:s24+$0xFFFFFFD0] =	vst v7  }
0xac: {  	v2 =	vand.u32 $0xF, v34;
	v5 =	vand.u32 $0xF, v35;
	v34 =	vperm.xlane v47, v31;
	[tilespmem:s25+$0x50] =	vst v48  }
0xad: {  	v6 =	vperm.xlane v33, v5;
	[tilespmem:s25+$0x60] =	vst v49  }
0xae: {  	v7 =	vperm.xlane v47, v30;
	[tilespmem:s25+$0x70] =	vst v34  }
0xaf: {  	[tilespmem:s24+$0xFFFFFFE0] =	vst v6;
	v6 =	vperm.xlane v47, v23  }
0xb0: {  	[tilespmem:s25+$0x0] =	vst v7;
	v7 =	vperm.xlane v47, v24  }
0xb1: {  	[tilespmem:s25+$0x10] =	vst v6;
	v6 =	vperm.xlane v47, v25  }
0xb2: {  	[tilespmem:s25+$0x20] =	vst v7;
	v7 =	vperm.xlane v47, v27  }
0xb3: {  	v21 =	vperm.xlane v26, v21;
	[tilespmem:s25+$0x30] =	vst v6  }
0xb4: {  	v22 =	vperm.xlane v26, v22;
	[tilespmem:s25+$0x40] =	vst v7  }
0xb5: {  	v9 =	vperm.xlane v26, v9;
	[tilespmem:s7+$0x10] =	vst v21;
	v52 =	vld [tilespmem:s4+$0x14]  }
0xb6: {  	v10 =	vperm.xlane v26, v10;
	[tilespmem:s7+$0x20] =	vst v22  }
0xb7: {  	[tilespmem:s7+$0x30] =	vst v9;
	v38 =	vperm.xlane v33, v2;
	v6 =	vand.u32 $0xF, v36  }
0xb8: {  	[tilespmem:s7+$0x40] =	vst v10;
	v7 =	vand.u32 $0xF, v37;
	v50 =	vperm.xlane v33, v6  }
0xb9: {  	[tilespmem:s24+$0xFFFFFFB0] =	vst v38;
	v33 =	vperm.xlane v33, v7  }
0xba: {  	[tilespmem:s24+$0xFFFFFFF0] =	vst v50;
	v20 =	vperm.xlane v52, v30  }
0xbb: {  	s26 =	simm.s32 $0x8080;
	[tilespmem:s24+$0xFFFFFF80] =	vst v33;
	v21 =	vperm.xlane v52, v23  }
0xbc: {  	[tilespmem:s26+$0x0] =	vst v20;
	v20 =	vperm.xlane v52, v24  }
0xbd: {  	[tilespmem:s26+$0x10] =	vst v21;
	v21 =	vperm.xlane v52, v25  }
0xbe: {  	[tilespmem:s26+$0x20] =	vst v20;
	v20 =	vperm.xlane v52, v27  }
0xbf: {  	v22 =	vld [tilespmem:s4+$0xA];
	[tilespmem:s26+$0x30] =	vst v21;
	v21 =	vperm.xlane v52, v28  }
0xc0: {  	[tilespmem:s26+$0x40] =	vst v20;
	v20 =	vperm.xlane v52, v29  }
0xc1: {  	[tilespmem:s26+$0x50] =	vst v21;
	v21 =	vperm.xlane v52, v31  }
0xc2: {  	v51 =	vperm.xlane v32, v17;
	[tilespmem:s26+$0x60] =	vst v20  }
0xc3: {  	v32 =	vperm.xlane v32, v18;
	[tilespmem:s26+$0x70] =	vst v21  }
0xc4: {  	[tilespmem:s15+$0xFFFFFFE0] =	vst v51;
	v53 =	vperm.xlane v22, v7;
	v54 =	vld [tilespmem:s4+$0x1E]  }
0xc5: {  	[tilespmem:s15+$0xFFFFFFF0] =	vst v32;
	v20 =	vperm.xlane v22, v0  }
0xc6: {  	[tilespmem:s25+$0xFFFFFF80] =	vst v53;
	v21 =	vperm.xlane v22, v1  }
0xc7: {  	[tilespmem:s25+$0xFFFFFF90] =	vst v20;
	v20 =	vperm.xlane v22, v3  }
0xc8: {  	[tilespmem:s25+$0xFFFFFFA0] =	vst v21;
	v21 =	vperm.xlane v22, v4  }
0xc9: {  	[tilespmem:s25+$0xFFFFFFC0] =	vst v20;
	v20 =	vperm.xlane v54, v30  }
0xca: {  	s28 =	simm.s32 $0xA080;
	[tilespmem:s25+$0xFFFFFFD0] =	vst v21;
	v21 =	vperm.xlane v54, v23  }
0xcb: {  	[tilespmem:s28+$0x0] =	vst v20;
	v20 =	vperm.xlane v54, v24  }
0xcc: {  	[tilespmem:s28+$0x10] =	vst v21;
	v21 =	vperm.xlane v54, v25  }
0xcd: {  	[tilespmem:s28+$0x20] =	vst v20;
	v20 =	vperm.xlane v54, v27  }
0xce: {  	[tilespmem:s28+$0x30] =	vst v21;
	v21 =	vperm.xlane v54, v28  }
0xcf: {  	v57 =	vld [tilespmem:s4+$0x32];
	[tilespmem:s28+$0x40] =	vst v20;
	v20 =	vperm.xlane v54, v29  }
0xd0: {  	v55 =	vperm.xlane v22, v2;
	[tilespmem:s28+$0x50] =	vst v21;
	v21 =	vperm.xlane v54, v31  }
0xd1: {  	v56 =	vperm.xlane v22, v5;
	v22 =	vperm.xlane v22, v6;
	[tilespmem:s28+$0x60] =	vst v20  }
0xd2: {  	[tilespmem:s28+$0x70] =	vst v21  }
0xd3: {  	[tilespmem:s25+$0xFFFFFFF0] =	vst v22;
	v22 =	vld [tilespmem:s4+$0x28]  }
0xd4: {  	[tilespmem:s25+$0xFFFFFFB0] =	vst v55;
	v20 =	vperm.xlane v57, v19  }
0xd5: {  	[tilespmem:s25+$0xFFFFFFE0] =	vst v56;
	v21 =	vperm.xlane v57, v8  }
0xd6: {  	[tilespmem:s0+$0xFFFFFF80] =	vst v20;
	v20 =	vperm.xlane v57, v14  }
0xd7: {  	[tilespmem:s0+$0xFFFFFF90] =	vst v21;
	v21 =	vperm.xlane v57, v15  }
0xd8: {  	[tilespmem:s0+$0xFFFFFFB0] =	vst v20;
	v20 =	vperm.xlane v22, v30  }
0xd9: {  	s29 =	simm.s32 $0xC080;
	[tilespmem:s0+$0xFFFFFFC0] =	vst v21;
	v21 =	vperm.xlane v22, v23  }
0xda: {  	[tilespmem:s29+$0x0] =	vst v20;
	v20 =	vperm.xlane v22, v24  }
0xdb: {  	v60 =	vld [tilespmem:s4+$0x14];
	[tilespmem:s29+$0x10] =	vst v21;
	v21 =	vperm.xlane v22, v25  }
0xdc: {  	[tilespmem:s29+$0x20] =	vst v20;
	v20 =	vperm.xlane v22, v27  }
0xdd: {  	[tilespmem:s29+$0x30] =	vst v21;
	v21 =	vperm.xlane v22, v28  }
0xde: {  	[tilespmem:s29+$0x40] =	vst v20;
	v20 =	vperm.xlane v22, v29  }
0xdf: {  	[tilespmem:s29+$0x50] =	vst v21;
	v21 =	vperm.xlane v22, v31  }
0xe0: {  	v22 =	vperm.xlane v60, v7;
	[tilespmem:s29+$0x60] =	vst v20  }
0xe1: {  	v61 =	vperm.xlane v60, v2;
	[tilespmem:s29+$0x70] =	vst v21  }
0xe2: {  	v62 =	vperm.xlane v60, v5;
	[tilespmem:s26+$0xFFFFFF80] =	vst v22;
	v22 =	vld [tilespmem:s4+$0x32]  }
0xe3: {  	[tilespmem:s26+$0xFFFFFFB0] =	vst v61;
	v20 =	vperm.xlane v60, v0  }
0xe4: {  	[tilespmem:s26+$0xFFFFFFE0] =	vst v62;
	v21 =	vperm.xlane v60, v1  }
0xe5: {  	[tilespmem:s26+$0xFFFFFF90] =	vst v20;
	v20 =	vperm.xlane v60, v3  }
0xe6: {  	[tilespmem:s26+$0xFFFFFFA0] =	vst v21;
	v21 =	vperm.xlane v60, v4  }
0xe7: {  	[tilespmem:s26+$0xFFFFFFC0] =	vst v20;
	v20 =	vperm.xlane v22, v30  }
0xe8: {  	s30 =	simm.s32 $0xE080;
	[tilespmem:s26+$0xFFFFFFD0] =	vst v21;
	v21 =	vperm.xlane v22, v23  }
0xe9: {  	[tilespmem:s30+$0x0] =	vst v20;
	v20 =	vperm.xlane v22, v24  }
0xea: {  	[tilespmem:s30+$0x10] =	vst v21;
	v21 =	vperm.xlane v22, v25  }
0xeb: {  	[tilespmem:s30+$0x20] =	vst v20;
	v20 =	vperm.xlane v22, v27  }
0xec: {  	[tilespmem:s30+$0x30] =	vst v21;
	v21 =	vperm.xlane v22, v28  }
0xed: {  	[tilespmem:s30+$0x40] =	vst v20;
	v20 =	vperm.xlane v22, v29  }
0xee: {  	[tilespmem:s30+$0x50] =	vst v21;
	v21 =	vperm.xlane v22, v31  }
0xef: {  	v22 =	vperm.xlane v60, v6;
	[tilespmem:s30+$0x60] =	vst v20  }
0xf0: {  	v11 =	vperm.xlane v26, v11;
	[tilespmem:s30+$0x70] =	vst v21  }
0xf1: {  	v9 =	vperm.xlane v26, v12;
	[tilespmem:s26+$0xFFFFFFF0] =	vst v22;
	v22 =	vld [tilespmem:s4+$0x3C]  }
0xf2: {  	[tilespmem:s7+$0x50] =	vst v11;
	v58 =	vperm.xlane v57, v13;
	v63 =	vld [tilespmem:s4+$0x1E]  }
0xf3: {  	[tilespmem:s7+$0x60] =	vst v9;
	v59 =	vperm.xlane v57, v16  }
0xf4: {  	[tilespmem:s0+$0xFFFFFFA0] =	vst v58;
	v20 =	vperm.xlane v57, v17  }
0xf5: {  	[tilespmem:s0+$0xFFFFFFD0] =	vst v59;
	v21 =	vperm.xlane v57, v18  }
0xf6: {  	[tilespmem:s0+$0xFFFFFFE0] =	vst v20;
	v10 =	vperm.xlane v22, v31  }
0xf7: {  	s31 =	simm.s32 $0x10080;
	[tilespmem:s0+$0xFFFFFFF0] =	vst v21;
	v11 =	vperm.xlane v63, v7  }
0xf8: {  	v9 =	vperm.xlane v63, v0;
	[tilespmem:s31+$0x70] =	vst v10  }
0xf9: {  	v12 =	vperm.xlane v63, v1;
	[tilespmem:s28+$0xFFFFFF80] =	vst v11  }
0xfa: {  	v20 =	vperm.xlane v63, v6;
	v10 =	vld [tilespmem:s4+$0x3C];
	[tilespmem:s28+$0xFFFFFF90] =	vst v9  }
0xfb: {  	v11 =	vperm.xlane v63, v2;
	[tilespmem:s28+$0xFFFFFFA0] =	vst v12  }
0xfc: {  	v26 =	vperm.xlane v22, v30;
	v12 =	vperm.xlane v63, v4;
	[tilespmem:s28+$0xFFFFFFF0] =	vst v20  }
0xfd: {  	v31 =	vperm.xlane v22, v23;
	[tilespmem:s28+$0xFFFFFFB0] =	vst v11;
	v11 =	vperm.xlane v63, v5  }
0xfe: {  	v30 =	vperm.xlane v22, v24;
	v9 =	vperm.xlane v63, v3;
	[tilespmem:s28+$0xFFFFFFD0] =	vst v12  }
0xff: {  	[tilespmem:s28+$0xFFFFFFE0] =	vst v11;
	v11 =	vperm.xlane v22, v28;
	v12 =	vperm.xlane v10, v13  }
0x100: {  	[tilespmem:s28+$0xFFFFFFC0] =	vst v9;
	v9 =	vperm.xlane v10, v19;
	v8 =	vperm.xlane v10, v8  }
0x101: {  	v13 =	vperm.xlane v10, v14;
	v21 =	vperm.xlane v10, v15;
	[tilespmem:s7+$0xFFFFFFA0] =	vst v12;
	v12 =	vld [tilespmem:s4+$0x28]  }
0x102: {  	v19 =	vperm.xlane v10, v16;
	v20 =	vperm.xlane v10, v17;
	[tilespmem:s7+$0xFFFFFF80] =	vst v9  }
0x103: {  	v32 =	vperm.xlane v10, v18;
	v10 =	vperm.xlane v22, v25;
	[tilespmem:s7+$0xFFFFFF90] =	vst v8  }
0x104: {  	s15 =	simm.s32 $0xE080;
	s0 =	simm.s32 $0x2;
	v9 =	vperm.xlane v22, v27;
	v8 =	vperm.xlane v22, v29;
	[tilespmem:s7+$0xFFFFFFB0] =	vst v13  }
.LBB2_3:
0x105: {  	v29 =	vld [tilespmem:s4+$0x0];
	s14 =	sadd.s32 $0x100, s14;
	[tilespmem:s7+$0xFFFFFFC0] =	vst v21  }
0x106: {  	v13 =	vld [tilespmem:s14+$0x0];
	v14 =	vperm.xlane v12, v7;
	v15 =	vperm.xlane v12, v0;
	[tilespmem:s7+$0xFFFFFFD0] =	vst v19  }
0x107: {  	v17 =	vperm.xlane v12, v1;
	v19 =	vperm.xlane v12, v2;
	v16 =	vld [tilespmem:s14+$0x10];
	[tilespmem:s7+$0xFFFFFFE0] =	vst v20  }
0x108: {  	v21 =	vperm.xlane v12, v4;
	v20 =	vld [tilespmem:s14+$0x20];
	[tilespmem:s29+$0xFFFFFF80] =	vst v14;
	v14 =	vperm.xlane v12, v3  }
0x109: {  	v33 =	vperm.xlane v12, v5;
	v34 =	vperm.xlane v12, v6;
	v22 =	vld [tilespmem:s14+$0x30];
	[tilespmem:s29+$0xFFFFFF90] =	vst v15  }
0x10a: {  	v15 =	vld [tilespmem:s14+$0x40];
	[tilespmem:s29+$0xFFFFFFA0] =	vst v17  }
0x10b: {  	v17 =	vld [tilespmem:s14+$0x50];
	v18 =	vand.u32 $0xF, v13;
	[tilespmem:s29+$0xFFFFFFB0] =	vst v19  }
0x10c: {  	v19 =	vld [tilespmem:s14+$0x60];
	v23 =	vperm.xlane v29, v18;
	v12 =	vand.u32 $0xF, v16;
	[tilespmem:s29+$0xFFFFFFC0] =	vst v14  }
0x10d: {  	s24 =	sadd.s32 $0x100, s24;
	v24 =	vld [tilespmem:s14+$0x70];
	v16 =	vperm.xlane v29, v12;
	v13 =	vand.u32 $0xF, v20;
	[tilespmem:s29+$0xFFFFFFD0] =	vst v21  }
0x10e: {  	v20 =	vld [tilespmem:s14+$0xFFFFFF90];
	[tilespmem:s24+$0x0] =	vst v23;
	v21 =	vperm.xlane v29, v13;
	v14 =	vand.u32 $0xF, v22  }
0x10f: {  	v22 =	vld [tilespmem:s14+$0xFFFFFFA0];
	[tilespmem:s24+$0x10] =	vst v16;
	v23 =	vperm.xlane v29, v14;
	v15 =	vand.u32 $0xF, v15  }
0x110: {  	v25 =	vld [tilespmem:s14+$0xFFFFFFB0];
	[tilespmem:s24+$0x20] =	vst v21;
	v21 =	vperm.xlane v29, v15;
	v16 =	vand.u32 $0xF, v17  }
0x111: {  	v28 =	vld [tilespmem:s14+$0xFFFFFFC0];
	[tilespmem:s24+$0x30] =	vst v23;
	v23 =	vperm.xlane v29, v16;
	v17 =	vand.u32 $0xF, v19  }
0x112: {  	v35 =	vld [tilespmem:s14+$0xFFFFFFD0];
	[tilespmem:s24+$0x40] =	vst v21;
	v21 =	vperm.xlane v29, v17;
	v27 =	vand.u32 $0xF, v24  }
0x113: {  	v36 =	vld [tilespmem:s14+$0xFFFFFFE0];
	v19 =	vand.u32 $0xF, v20;
	[tilespmem:s24+$0x50] =	vst v23;
	v23 =	vperm.xlane v29, v27  }
0x114: {  	v37 =	vld [tilespmem:s14+$0xFFFFFFF0];
	v24 =	vperm.xlane v29, v19;
	v20 =	vand.u32 $0xF, v22;
	[tilespmem:s24+$0x60] =	vst v21  }
0x115: {  	v38 =	vld [tilespmem:s14+$0xFFFFFF80];
	v39 =	vperm.xlane v29, v20;
	v21 =	vand.u32 $0xF, v25;
	[tilespmem:s24+$0x70] =	vst v23  }
0x116: {  	[tilespmem:s24+$0xFFFFFF90] =	vst v24;
	v23 =	vperm.xlane v29, v21;
	v22 =	vand.u32 $0xF, v28;
	v40 =	vld [tilespmem:s4+$0xA]  }
0x117: {  	[tilespmem:s24+$0xFFFFFFA0] =	vst v39;
	v25 =	vperm.xlane v29, v22;
	v24 =	vand.u32 $0xF, v35  }
0x118: {  	[tilespmem:s24+$0xFFFFFFB0] =	vst v23;
	v35 =	vperm.xlane v29, v24;
	v23 =	vand.u32 $0xF, v36  }
0x119: {  	[tilespmem:s24+$0xFFFFFFC0] =	vst v25;
	v36 =	vperm.xlane v29, v23;
	v25 =	vand.u32 $0xF, v37  }
0x11a: {  	v28 =	vand.u32 $0xF, v38;
	[tilespmem:s24+$0xFFFFFFD0] =	vst v35;
	v35 =	vperm.xlane v29, v25  }
0x11b: {  	v29 =	vperm.xlane v29, v28;
	[tilespmem:s24+$0xFFFFFFE0] =	vst v36;
	v36 =	vperm.xlane v40, v18  }
0x11c: {  	s25 =	sadd.s32 $0x100, s25;
	[tilespmem:s24+$0xFFFFFFF0] =	vst v35;
	v35 =	vperm.xlane v40, v12  }
0x11d: {  	[tilespmem:s25+$0x0] =	vst v36;
	v36 =	vperm.xlane v40, v13  }
0x11e: {  	[tilespmem:s25+$0x10] =	vst v35;
	v35 =	vperm.xlane v40, v14  }
0x11f: {  	[tilespmem:s25+$0x20] =	vst v36;
	v36 =	vperm.xlane v40, v15  }
0x120: {  	[tilespmem:s25+$0x30] =	vst v35;
	v35 =	vperm.xlane v40, v16  }
0x121: {  	[tilespmem:s25+$0x40] =	vst v36;
	v36 =	vperm.xlane v40, v17  }
0x122: {  	[tilespmem:s25+$0x50] =	vst v35;
	v35 =	vperm.xlane v40, v27  }
0x123: {  	[tilespmem:s25+$0x60] =	vst v36  }
0x124: {  	[tilespmem:s25+$0x70] =	vst v35  }
0x125: {  	[tilespmem:s24+$0xFFFFFF80] =	vst v29;
	v29 =	vld [tilespmem:s4+$0x14]  }
0x126: {  	v35 =	vld [tilespmem:s4+$0xA];
	[tilespmem:s29+$0xFFFFFFE0] =	vst v33  }
0x127: {  	[tilespmem:s29+$0xFFFFFFF0] =	vst v34  }
0x128: {  	v33 =	vld [tilespmem:s4+$0x32];
	[tilespmem:s7+$0xFFFFFFF0] =	vst v32;
	s7 =	smov.u32 s31  }
0x129: {  	[tilespmem:s31+$0x0] =	vst v26  }
0x12a: {  	v26 =	vperm.xlane v29, v18;
	[tilespmem:s31+$0x10] =	vst v31  }
0x12b: {  	s26 =	sadd.s32 $0x100, s26;
	v32 =	vperm.xlane v29, v12;
	v31 =	vperm.xlane v35, v28;
	[tilespmem:s31+$0x20] =	vst v30  }
0x12c: {  	v30 =	vperm.xlane v35, v19;
	[tilespmem:s26+$0x0] =	vst v26;
	v26 =	vperm.xlane v29, v13  }
0x12d: {  	v34 =	vperm.xlane v35, v20;
	[tilespmem:s26+$0x10] =	vst v32;
	v32 =	vperm.xlane v29, v14  }
0x12e: {  	v36 =	vperm.xlane v35, v21;
	[tilespmem:s26+$0x20] =	vst v26;
	v26 =	vperm.xlane v29, v15  }
0x12f: {  	v37 =	vperm.xlane v35, v22;
	[tilespmem:s26+$0x30] =	vst v32;
	v32 =	vperm.xlane v29, v16  }
0x130: {  	s0 =	sadd.s32 $0x2, s0;
	v38 =	vperm.xlane v35, v24;
	[tilespmem:s26+$0x40] =	vst v26;
	v26 =	vperm.xlane v29, v17  }
0x131: {  	p0 =	slt.u32 s0, $0x3E;
	v39 =	vperm.xlane v35, v23;
	v29 =	vperm.xlane v29, v27;
	[tilespmem:s26+$0x50] =	vst v32  }
0x132: {  	v32 =	vperm.xlane v35, v25;
	v35 =	vperm.xlane v33, v7;
	[tilespmem:s26+$0x60] =	vst v26  }
0x133: {  	v40 =	vperm.xlane v33, v0;
	v41 =	vperm.xlane v33, v1;
	[tilespmem:s26+$0x70] =	vst v29  }
0x134: {  	v42 =	vperm.xlane v33, v2;
	v43 =	vperm.xlane v33, v3;
	[tilespmem:s25+$0xFFFFFF80] =	vst v31;
	v31 =	vld [tilespmem:s4+$0x1E]  }
0x135: {  	v26 =	vperm.xlane v33, v5;
	[tilespmem:s25+$0xFFFFFF90] =	vst v30;
	v30 =	vperm.xlane v33, v4  }
0x136: {  	v29 =	vperm.xlane v33, v6;
	[tilespmem:s25+$0xFFFFFFA0] =	vst v34  }
0x137: {  	[tilespmem:s25+$0xFFFFFFB0] =	vst v36  }
0x138: {  	[tilespmem:s25+$0xFFFFFFC0] =	vst v37  }
0x139: {  	[tilespmem:s25+$0xFFFFFFD0] =	vst v38;
	v33 =	vperm.xlane v31, v18  }
0x13a: {  	s28 =	sadd.s32 $0x100, s28;
	v34 =	vperm.xlane v31, v12;
	[tilespmem:s25+$0xFFFFFFE0] =	vst v39  }
0x13b: {  	[tilespmem:s28+$0x0] =	vst v33;
	v33 =	vperm.xlane v31, v13  }
0x13c: {  	[tilespmem:s28+$0x10] =	vst v34;
	v34 =	vperm.xlane v31, v14  }
0x13d: {  	[tilespmem:s28+$0x20] =	vst v33;
	v33 =	vperm.xlane v31, v15  }
0x13e: {  	[tilespmem:s28+$0x30] =	vst v34;
	v34 =	vperm.xlane v31, v16  }
0x13f: {  	[tilespmem:s28+$0x40] =	vst v33;
	v33 =	vperm.xlane v31, v17  }
0x140: {  	v31 =	vperm.xlane v31, v27;
	[tilespmem:s28+$0x50] =	vst v34  }
0x141: {  	[tilespmem:s28+$0x60] =	vst v33  }
0x142: {  	[tilespmem:s28+$0x70] =	vst v31  }
0x143: {  	[tilespmem:s25+$0xFFFFFFF0] =	vst v32;
	v31 =	vld [tilespmem:s4+$0x28]  }
0x144: {  	v32 =	vld [tilespmem:s4+$0x14];
	[tilespmem:s30+$0xFFFFFF80] =	vst v35  }
0x145: {  	[tilespmem:s30+$0xFFFFFF90] =	vst v40  }
0x146: {  	[tilespmem:s30+$0xFFFFFFA0] =	vst v41  }
0x147: {  	[tilespmem:s30+$0xFFFFFFB0] =	vst v42  }
0x148: {  	v33 =	vperm.xlane v31, v18;
	[tilespmem:s30+$0xFFFFFFC0] =	vst v43  }
0x149: {  	s29 =	sadd.s32 $0x100, s29;
	v35 =	vperm.xlane v31, v12;
	v34 =	vperm.xlane v32, v28;
	[tilespmem:s30+$0xFFFFFFD0] =	vst v30  }
0x14a: {  	v30 =	vperm.xlane v32, v19;
	[tilespmem:s29+$0x0] =	vst v33;
	v33 =	vperm.xlane v31, v13  }
0x14b: {  	v36 =	vperm.xlane v32, v20;
	[tilespmem:s29+$0x10] =	vst v35;
	v35 =	vperm.xlane v31, v14  }
0x14c: {  	v37 =	vperm.xlane v32, v21;
	[tilespmem:s29+$0x20] =	vst v33;
	v33 =	vperm.xlane v31, v15  }
0x14d: {  	v38 =	vperm.xlane v32, v22;
	[tilespmem:s29+$0x30] =	vst v35;
	v35 =	vperm.xlane v31, v16  }
0x14e: {  	v39 =	vperm.xlane v32, v24;
	[tilespmem:s29+$0x40] =	vst v33;
	v33 =	vperm.xlane v31, v17  }
0x14f: {  	v40 =	vperm.xlane v32, v23;
	v31 =	vperm.xlane v31, v27;
	[tilespmem:s29+$0x50] =	vst v35  }
0x150: {  	v32 =	vperm.xlane v32, v25;
	[tilespmem:s29+$0x60] =	vst v33  }
0x151: {  	[tilespmem:s29+$0x70] =	vst v31  }
0x152: {  	[tilespmem:s26+$0xFFFFFF80] =	vst v34;
	v31 =	vld [tilespmem:s4+$0x32]  }
0x153: {  	[tilespmem:s26+$0xFFFFFF90] =	vst v30  }
0x154: {  	[tilespmem:s26+$0xFFFFFFA0] =	vst v36  }
0x155: {  	[tilespmem:s26+$0xFFFFFFB0] =	vst v37  }
0x156: {  	[tilespmem:s26+$0xFFFFFFC0] =	vst v38  }
0x157: {  	[tilespmem:s26+$0xFFFFFFD0] =	vst v39;
	v30 =	vperm.xlane v31, v18  }
0x158: {  	s30 =	sadd.s32 $0x100, s30;
	v33 =	vperm.xlane v31, v12;
	[tilespmem:s26+$0xFFFFFFE0] =	vst v40  }
0x159: {  	[tilespmem:s30+$0x0] =	vst v30;
	v30 =	vperm.xlane v31, v13  }
0x15a: {  	[tilespmem:s30+$0x10] =	vst v33;
	v33 =	vperm.xlane v31, v14  }
0x15b: {  	[tilespmem:s30+$0x20] =	vst v30;
	v30 =	vperm.xlane v31, v15  }
0x15c: {  	[tilespmem:s30+$0x30] =	vst v33;
	v33 =	vperm.xlane v31, v16  }
0x15d: {  	[tilespmem:s30+$0x40] =	vst v30;
	v30 =	vperm.xlane v31, v17  }
0x15e: {  	v31 =	vperm.xlane v31, v27;
	[tilespmem:s30+$0x50] =	vst v33  }
0x15f: {  	[tilespmem:s30+$0x60] =	vst v30  }
0x160: {  	[tilespmem:s30+$0x70] =	vst v31  }
0x161: {  	[tilespmem:s26+$0xFFFFFFF0] =	vst v32;
	v33 =	vld [tilespmem:s4+$0x3C]  }
0x162: {  	v30 =	vld [tilespmem:s4+$0x1E];
	[tilespmem:s15+$0xFFFFFFE0] =	vst v26  }
0x163: {  	[tilespmem:s15+$0xFFFFFFF0] =	vst v29;
	s15 =	smov.u32 s30  }
0x164: {  	v29 =	vld [tilespmem:s4+$0x3C];
	[tilespmem:s31+$0x30] =	vst v10  }
0x165: {  	[tilespmem:s31+$0x40] =	vst v9  }
0x166: {  	v26 =	vperm.xlane v33, v18;
	v9 =	vperm.xlane v33, v27;
	[tilespmem:s31+$0x50] =	vst v11  }
0x167: {  	s31 =	sadd.s32 $0x100, s31;
	v10 =	vperm.xlane v30, v28;
	v11 =	vperm.xlane v30, v19;
	[tilespmem:s7+$0x60] =	vst v8  }
0x168: {  	v8 =	vperm.xlane v30, v20;
	v18 =	vperm.xlane v30, v21;
	[tilespmem:s31+$0x70] =	vst v9  }
0x169: {  	v9 =	vperm.xlane v30, v22;
	[tilespmem:s28+$0xFFFFFF80] =	vst v10;
	v10 =	vperm.xlane v30, v24  }
0x16a: {  	v27 =	vperm.xlane v30, v25;
	[tilespmem:s28+$0xFFFFFF90] =	vst v11;
	v11 =	vperm.xlane v30, v23  }
0x16b: {  	v34 =	vperm.xlane v29, v7;
	v35 =	vperm.xlane v29, v0;
	v0 =	vmovc v19;
	v7 =	vmov v28;
	[tilespmem:s28+$0xFFFFFFA0] =	vst v8  }
0x16c: {  	v28 =	vperm.xlane v29, v2;
	v2 =	vmovc v21;
	[tilespmem:s28+$0xFFFFFFB0] =	vst v18;
	v18 =	vperm.xlane v29, v1;
	v1 =	vmov v20  }
0x16d: {  	v21 =	vperm.xlane v29, v3;
	v19 =	vperm.xlane v29, v4;
	v3 =	vmovc v22;
	v4 =	vmov v24;
	[tilespmem:s28+$0xFFFFFFC0] =	vst v9  }
0x16e: {  	v32 =	vperm.xlane v29, v6;
	v6 =	vmovc v25;
	v20 =	vperm.xlane v29, v5;
	v5 =	vmov v23;
	[tilespmem:s28+$0xFFFFFFD0] =	vst v10  }
0x16f: {  	v31 =	vperm.xlane v33, v12;
	v30 =	vperm.xlane v33, v13;
	[tilespmem:s28+$0xFFFFFFE0] =	vst v11  }
.Ltmp0:
0x170: {  	v9 =	vperm.xlane v33, v15;
	v10 =	vperm.xlane v33, v14;
	[tilespmem:s28+$0xFFFFFFF0] =	vst v27;
	(pc) =	sbr.rel @p0 .LBB2_3-.Ltmp0, $4  }
0x171: {  	v8 =	vperm.xlane v33, v17;
	v11 =	vperm.xlane v33, v16;
	v12 =	vld [tilespmem:s4+$0x28];
	[tilespmem:s7+$0xFFFFFF80] =	vst v34  }
0x172: {  	[tilespmem:s7+$0xFFFFFF90] =	vst v35  }
0x173: {  	[tilespmem:s7+$0xFFFFFFA0] =	vst v18  }
0x174: {  	[tilespmem:s7+$0xFFFFFFB0] =	vst v28  }
0x175: {  	_ = 	snop  }
0x176: {  	v13 =	vperm.xlane v12, v7  }
0x177: {  	v14 =	vperm.xlane v12, v0  }
0x178: {  	v44 =	vperm.xlane v12, v1;
	[tilespmem:s29+$0xFFFFFF80] =	vst v13  }
0x179: {  	v45 =	vperm.xlane v12, v2;
	[tilespmem:s29+$0xFFFFFF90] =	vst v14  }
0x17a: {  	v46 =	vperm.xlane v12, v3;
	[tilespmem:s29+$0xFFFFFFA0] =	vst v44  }
0x17b: {  	v47 =	vperm.xlane v12, v4;
	[tilespmem:s29+$0xFFFFFFB0] =	vst v45  }
0x17c: {  	v48 =	vperm.xlane v12, v5;
	[tilespmem:s29+$0xFFFFFFC0] =	vst v46  }
0x17d: {  	v49 =	vperm.xlane v12, v6;
	[tilespmem:s29+$0xFFFFFFD0] =	vst v47  }
0x17e: {  	[tilespmem:s29+$0xFFFFFFE0] =	vst v48  }
0x17f: {  	[tilespmem:s29+$0xFFFFFFF0] =	vst v49  }
0x180: {  	v12 =	vld [tilespmem:s4+$0x32];
	_ =	sdelay $0x2  }
0x181: {  	[tilespmem:s7+$0xFFFFFFC0] =	vst v21  }
0x182: {  	[tilespmem:s7+$0xFFFFFFD0] =	vst v19  }
0x183: {  	[tilespmem:s7+$0xFFFFFFE0] =	vst v20;
	v50 =	vperm.xlane v12, v7  }
0x184: {  	[tilespmem:s7+$0xFFFFFFF0] =	vst v32;
	v51 =	vperm.xlane v12, v0  }
0x185: {  	v15 =	vperm.xlane v12, v1;
	[tilespmem:s30+$0xFFFFFF80] =	vst v50  }
0x186: {  	v52 =	vperm.xlane v12, v2;
	[tilespmem:s30+$0xFFFFFF90] =	vst v51  }
0x187: {  	v53 =	vperm.xlane v12, v3;
	[tilespmem:s30+$0xFFFFFFA0] =	vst v15  }
0x188: {  	v54 =	vperm.xlane v12, v4;
	[tilespmem:s30+$0xFFFFFFB0] =	vst v52  }
0x189: {  	v55 =	vperm.xlane v12, v5;
	[tilespmem:s30+$0xFFFFFFC0] =	vst v53  }
0x18a: {  	v12 =	vperm.xlane v12, v6;
	[tilespmem:s30+$0xFFFFFFD0] =	vst v54  }
0x18b: {  	[tilespmem:s15+$0xFFFFFFE0] =	vst v55  }
0x18c: {  	[tilespmem:s15+$0xFFFFFFF0] =	vst v12  }
0x18d: {  	[tilespmem:s31+$0x0] =	vst v26;
	v12 =	vld [tilespmem:s4+$0x3C]  }
0x18e: {  	[tilespmem:s31+$0x10] =	vst v31  }
0x18f: {  	[tilespmem:s31+$0x20] =	vst v30  }
0x190: {  	[tilespmem:s31+$0x30] =	vst v10  }
0x191: {  	[tilespmem:s31+$0x40] =	vst v9  }
0x192: {  	[tilespmem:s31+$0x50] =	vst v11;
	v56 =	vperm.xlane v12, v7  }
0x193: {  	[tilespmem:s31+$0x60] =	vst v8;
	v57 =	vperm.xlane v12, v0  }
0x194: {  	v58 =	vperm.xlane v12, v1;
	[tilespmem:s31+$0xFFFFFF80] =	vst v56  }
0x195: {  	v59 =	vperm.xlane v12, v2;
	[tilespmem:s31+$0xFFFFFF90] =	vst v57  }
0x196: {  	v60 =	vperm.xlane v12, v3;
	[tilespmem:s31+$0xFFFFFFA0] =	vst v58  }
0x197: {  	v61 =	vperm.xlane v12, v4;
	[tilespmem:s31+$0xFFFFFFB0] =	vst v59  }
0x198: {  	s0 =	sshll.u32 s16, $0xE;
	v62 =	vperm.xlane v12, v5;
	[tilespmem:s31+$0xFFFFFFC0] =	vst v60  }
0x199: {  	s25 =	sor.u32 s6, s0;
	v63 =	vperm.xlane v12, v6;
	[tilespmem:s31+$0xFFFFFFD0] =	vst v61  }
0x19a: {  	s4 =	sshrl.u32 s25, $0x3;
	[tilespmem:s31+$0xFFFFFFE0] =	vst v62  }
0x19b: {  	s26 =	sadd.s32 s8, s0;
	s4 =	sadd.s32 s1, s4;
	[tilespmem:s31+$0xFFFFFFF0] =	vst v63  }
0x19c: {  	[hbm4b:s4+s2] =	stream.linear.scatter [tilespmem:s17], [sflag:$0x1], $0x2000, $0x38;
	[tilespmem:$0x11F00] =	vst v63  }
0x19d: {  	s4 =	sshrl.u32 s26, $0x3  }
0x19e: {  	s28 =	sadd.s32 s9, s0;
	s4 =	sadd.s32 s1, s4  }
0x19f: {  	[hbm4b:s4+s2] =	stream.linear.scatter [tilespmem:s18], [sflag:$0x2], $0x2000, $0x38;
	[tilespmem:$0x11F00] =	vst v63  }
0x1a0: {  	s4 =	sshrl.u32 s28, $0x3  }
0x1a1: {  	s29 =	sadd.s32 s10, s0;
	s4 =	sadd.s32 s1, s4  }
0x1a2: {  	[hbm4b:s4+s2] =	stream.linear.scatter [tilespmem:s19], [sflag:$0x3], $0x2000, $0x38;
	[tilespmem:$0x11F00] =	vst v63  }
0x1a3: {  	s4 =	sshrl.u32 s29, $0x3  }
0x1a4: {  	s30 =	sadd.s32 s11, s0;
	s4 =	sadd.s32 s1, s4  }
0x1a5: {  	[hbm4b:s4+s2] =	stream.linear.scatter [tilespmem:s20], [sflag:$0x4], $0x2000, $0x38;
	[tilespmem:$0x11F00] =	vst v63  }
0x1a6: {  	s3 =	sadd.s32 $0x1, s3;
	s4 =	sshrl.u32 s30, $0x3  }
0x1a7: {  	p0 =	sne.s32 s3, $0x7;
	s31 =	sadd.s32 s12, s0;
	s4 =	sadd.s32 s1, s4  }
0x1a8: {  	[hbm4b:s4+s2] =	stream.linear.scatter [tilespmem:s21], [sflag:$0x5], $0x2000, $0x38;
	[tilespmem:$0x11F00] =	vst v63  }
.Ltmp1:
0x1a9: {  	s0 =	sadd.s32 s13, s0;
	s4 =	sshrl.u32 s31, $0x3;
	(pc) =	sbr.rel @p0 .LBB2_2-.Ltmp1, $4  }
0x1aa: {  	s0 =	sshrl.u32 s0, $0x3;
	s4 =	sadd.s32 s1, s4  }
0x1ab: {  	[hbm4b:s4+s2] =	stream.linear.scatter [tilespmem:s22], [sflag:$0x6], $0x2000, $0x38;
	[tilespmem:$0x11F00] =	vst v63  }
0x1ac: {  	s0 =	sadd.s32 s1, s0  }
0x1ad: {  	[hbm4b:s0+s2] =	stream.linear.scatter [tilespmem:s23], [sflag:$0x7], $0x2000, $0x38;
	[tilespmem:$0x11F00] =	vst v63  }
0x1ae: {  	s0 =	simm.s32 $0x1  }
0x1af: {  	_ =	swait.ge [sflag:s0], $0x2000  }
0x1b0: {  	[sflag:s0] =	ssyncset.done $0x0  }
0x1b1: {  	s25 =	simm.s32 $0x2;
	[sflag:s0] =	ssyncadd.s32 $0xFFFFE000  }
0x1b2: {  	_ =	swait.ge [sflag:s25], $0x2000  }
0x1b3: {  	[sflag:s25] =	ssyncset.done $0x0  }
0x1b4: {  	s26 =	simm.s32 $0x3;
	[sflag:s25] =	ssyncadd.s32 $0xFFFFE000  }
0x1b5: {  	_ =	swait.ge [sflag:s26], $0x2000  }
0x1b6: {  	[sflag:s26] =	ssyncset.done $0x0  }
0x1b7: {  	s28 =	simm.s32 $0x4;
	[sflag:s26] =	ssyncadd.s32 $0xFFFFE000  }
0x1b8: {  	_ =	swait.ge [sflag:s28], $0x2000  }
0x1b9: {  	[sflag:s28] =	ssyncset.done $0x0  }
0x1ba: {  	s29 =	simm.s32 $0x5;
	[sflag:s28] =	ssyncadd.s32 $0xFFFFE000  }
0x1bb: {  	_ =	swait.ge [sflag:s29], $0x2000  }
0x1bc: {  	[sflag:s29] =	ssyncset.done $0x0  }
0x1bd: {  	s30 =	simm.s32 $0x6;
	[sflag:s29] =	ssyncadd.s32 $0xFFFFE000  }
0x1be: {  	_ =	swait.ge [sflag:s30], $0x2000  }
0x1bf: {  	[sflag:s30] =	ssyncset.done $0x0  }
0x1c0: {  	s3 =	simm.s32 $0x7;
	[sflag:s30] =	ssyncadd.s32 $0xFFFFE000  }
0x1c1: {  	_ =	swait.ge [sflag:s3], $0x2000  }
0x1c2: {  	s4 =	rddreg [dreg:$0x7]  }
0x1c3: {  	s31 =	rddreg [dreg:$0x6];
	s4 =	sadd.s32 $0x1, s4  }
0x1c4: {  	p0 =	sne.s32 s4, s31  }
.Ltmp2:
0x1c5: {  	_ = 	snop;
	(pc) =	sbr.rel @p0 .LBB2_1-.Ltmp2, $3  }
0x1c6: {  	_ =	sdelay $0x1  }
0x1c7: {  	[sflag:s3] =	ssyncset.done $0x0  }
0x1c8: {  	[sflag:s3] =	ssyncadd.s32 $0xFFFFE000  }
0x1c9: {  	_ =	sfence.sel $0x180000  }
0x1ca: {  	[bflag:$0x0] =	sbarrier.arrive $0xFFFF  }
0x1cb: {  	_ =	strace $0x90000047  }
0x1cc: {  	s0 =	stileid.u32;
	[bflag:$0x2] =	sbarrier.arrive $0xFFFF  }
0x1cd: {  	p0 =	sne.s32 s0, $0x0;
	s0 =	rddreg [dreg:$0x3]  }
0x1ce: {  	s0 =	sadd.s32 @!p0 $0x100000, s0  }
0x1cf: {  	[sflag:s0] =	ssyncadd.tile.s32 @!p0 $0x1;
	_ =	shalt  }
.Lfunc_end2:
_tile_overlayer_lowered:
.L_overlay_start_2:
0x1d0: {  	(tag) =	ssettag $0x2  }
0x1d1: {  	s0 =	rddreg [dreg:$0x0];
	s2 =	stileid.u32  }
0x1d2: {  	s1 =	rddreg [dreg:$0x1];
	p0 =	sne.s32 s2, $0x0  }
0x1d3: {  	s3 =	rddreg [dreg:$0x2];
	[bflag:$0x3] =	sbarrier.arrive $0xFFFF;
	s2 =	simm.s32 @!p0 $0x1C08  }
0x1d4: {  	[timem:s3], [sflag:s2] =	dma.local @!p0 [hbm:s0], s1  }
0x1d5: {  	s0 =	simm.s32 @!p0 $0x8  }
0x1d6: {  	_ =	swait.ge @!p0 [sflag:s0], s1  }
0x1d7: {  	s1 =	ssub.s32 @!p0 $0x0, s1;
	[sflag:s0] =	ssyncset.done @!p0 $0x0  }
0x1d8: {  	[sflag:s0] =	ssyncadd.s32 @!p0 s1  }
0x1d9: {  	[bflag:$0x3] =	sbarrier.arrive $0xFFFF  }
0x1da: {  	_ =	shalt  }

</sc_bundles>
